<compile_context>
chip_gen: v7x
topology: tpu7x:2x2x1
jax: 0.10.2.dev20260603
libtpu: 0.0.44.dev20260713+nightly
codegen_flags: <defaults>
</compile_context>

<pallas_src>
import functools

import jax
import jax.numpy as jnp
from jax import lax
from jax.experimental import pallas as pl
from jax.experimental.pallas import tpu as pltpu
from jax.experimental.pallas import tpu_sc as plsc

N_NODES = 10000
N_EDGES = 320000
N_GRAPHS = 128
N_CLASSES = 10
HALF = N_NODES // 2

NCORES = 2
NSUB = 16
NW = NCORES * NSUB
EPT = N_EDGES // NW
CHUNK = 125
NCHUNK = EPT // CHUNK
RPT = N_NODES // NSUB

ROWS_B = 1000
GRID = HALF // ROWS_B


NBUF = 4


def _sc_segsum_body(p_hbm, edges_hbm, out_hbm,
                    srcv, dstv, rows0, rows1, rows2, rows3,
                    acc, sem0, sem1, sem2, sem3):
    c = lax.axis_index("c")
    s = lax.axis_index("s")
    wid = c * NSUB + s
    rows = [rows0, rows1, rows2, rows3]
    sems = [sem0, sem1, sem2, sem3]

    def zstep(i, carry):
        for part in range(4):
            rows0[i, pl.ds(part * 16, 16)] = jnp.zeros((16,), jnp.float32)
        return carry

    lax.fori_loop(0, CHUNK, zstep, 0)
    for m in range(RPT // CHUNK):
        pltpu.sync_copy(rows0, acc.at[pl.ds(s * RPT + m * CHUNK, CHUNK)])
    pltpu.sync_copy(edges_hbm.at[0, pl.ds(wid * NCHUNK, NCHUNK)], srcv)
    pltpu.sync_copy(edges_hbm.at[1, pl.ds(wid * NCHUNK, NCHUNK)], dstv)
    plsc.subcore_barrier()

    for b in range(NBUF):
        pltpu.async_copy(p_hbm.at[srcv.at[b]], rows[b], sems[b])

    def step(k, carry):
        for b in range(NBUF):
            j = k * NBUF + b
            pltpu.make_async_copy(p_hbm.at[srcv.at[j]], rows[b],
                                  sems[b]).wait()
            pltpu.sync_copy(rows[b], acc.at[dstv.at[j]], add=True)
            jn = jnp.minimum(j + NBUF, NCHUNK - 1)
            pltpu.async_copy(p_hbm.at[srcv.at[jn]], rows[b], sems[b])
        return carry

    lax.fori_loop(0, NCHUNK // NBUF, step, 0)
    for b in range(NBUF):
        pltpu.make_async_copy(p_hbm.at[srcv.at[b]], rows[b], sems[b]).wait()
    plsc.subcore_barrier()
    pltpu.sync_copy(acc.at[pl.ds(s * RPT, RPT)],
                    out_hbm.at[c, pl.ds(s * RPT, RPT)])


@functools.lru_cache(maxsize=None)
def _get_sc_segsum():
    return pl.kernel(
        _sc_segsum_body,
        out_type=jax.ShapeDtypeStruct((NCORES, N_NODES, 64), jnp.float32),
        mesh=plsc.VectorSubcoreMesh(core_axis_name="c", subcore_axis_name="s",
                                    num_cores=NCORES, num_subcores=NSUB),
        scratch_types=[
            pltpu.VMEM((NCHUNK, CHUNK), jnp.int32),
            pltpu.VMEM((NCHUNK, CHUNK), jnp.int32),
        ] + [pltpu.VMEM((CHUNK, 64), jnp.float32) for _ in range(NBUF)] + [
            pltpu.VMEM_SHARED((N_NODES, 64), jnp.float32),
        ] + [pltpu.SemaphoreType.DMA for _ in range(NBUF)],
        compiler_params=pltpu.CompilerParams(use_tc_tiling_on_sc=False),
    )


def _stage_a_body(xt_ref, xb_ref, w1_ref, p_ref):
    yt = jnp.dot(xt_ref[...], w1_ref[...], preferred_element_type=jnp.float32)
    yb = jnp.dot(xb_ref[...], w1_ref[...], preferred_element_type=jnp.float32)
    p_ref[...] = jnp.concatenate([yt, yb], axis=1)


def _stage_a(x, W1):
    return pl.pallas_call(
        _stage_a_body,
        grid=(GRID,),
        in_specs=[
            pl.BlockSpec((ROWS_B, 128), lambda i: (i, 0)),
            pl.BlockSpec((ROWS_B, 128), lambda i: (i + GRID, 0)),
            pl.BlockSpec((128, 64), lambda i: (0, 0)),
        ],
        out_specs=pl.BlockSpec((ROWS_B, 128), lambda i: (i, 0)),
        out_shape=jax.ShapeDtypeStruct((HALF, 128), jnp.float32),
    )(x, x, W1)


def _stage_b_body(parts_ref, p_ref, b1_ref, w2_ref, b2_ref, w3_ref, q_ref):
    S = parts_ref[0] + parts_ref[1] + p_ref[...]
    z1 = jnp.maximum(S + b1_ref[...], 0.0)
    h = jnp.maximum(
        jnp.dot(z1, w2_ref[...], preferred_element_type=jnp.float32)
        + b2_ref[...], 0.0)
    q_ref[...] = jnp.dot(h, w3_ref[...], preferred_element_type=jnp.float32)


def _stage_b(parts, p, b1p, W2bd, b2p, W3bd):
    return pl.pallas_call(
        _stage_b_body,
        grid=(GRID,),
        in_specs=[
            pl.BlockSpec((NCORES, ROWS_B, 128), lambda i: (0, i, 0)),
            pl.BlockSpec((ROWS_B, 128), lambda i: (i, 0)),
            pl.BlockSpec((1, 128), lambda i: (0, 0)),
            pl.BlockSpec((128, 128), lambda i: (0, 0)),
            pl.BlockSpec((1, 128), lambda i: (0, 0)),
            pl.BlockSpec((128, 128), lambda i: (0, 0)),
        ],
        out_specs=pl.BlockSpec((ROWS_B, 128), lambda i: (i, 0)),
        out_shape=jax.ShapeDtypeStruct((HALF, 128), jnp.float32),
    )(parts, p, b1p, W2bd, b2p, W3bd)


def _stage_c_body(parts_ref, q_ref, b3_ref, w4t_ref, w4b_ref, b4_ref,
                  bt_ref, bb_ref, wf_ref, bf_ref, o_ref, sums_ref, cnt_ref):
    i = pl.program_id(0)

    @pl.when(i == 0)
    def _():
        sums_ref[...] = jnp.zeros_like(sums_ref)
        cnt_ref[...] = jnp.zeros_like(cnt_ref)

    T = parts_ref[0] + parts_ref[1] + q_ref[...]
    z2 = jnp.maximum(T + b3_ref[...], 0.0)
    a_half = jnp.dot(z2, w4t_ref[...],
                     preferred_element_type=jnp.float32) + b4_ref[...]
    b_half = jnp.dot(z2, w4b_ref[...],
                     preferred_element_type=jnp.float32) + b4_ref[...]
    gids = lax.broadcasted_iota(jnp.int32, (ROWS_B, N_GRAPHS), 1)
    mt = (bt_ref[...] == gids).astype(jnp.float32)
    mb = (bb_ref[...] == gids).astype(jnp.float32)
    dn = (((0,), (0,)), ((), ()))
    sums_ref[...] += (
        lax.dot_general(mt, a_half, dn, preferred_element_type=jnp.float32)
        + lax.dot_general(mb, b_half, dn, preferred_element_type=jnp.float32))
    ones = jnp.ones((ROWS_B, 1), jnp.float32)
    cnt_ref[...] += (
        lax.dot_general(mt, ones, dn, preferred_element_type=jnp.float32)
        + lax.dot_general(mb, ones, dn, preferred_element_type=jnp.float32))

    @pl.when(i == GRID - 1)
    def _():
        pooled = sums_ref[...] / jnp.maximum(cnt_ref[...], 1.0)
        logits = jnp.dot(pooled, wf_ref[...],
                         preferred_element_type=jnp.float32) + bf_ref[...]
        m = jnp.max(logits, axis=1, keepdims=True)
        e = logits - m
        lse = jnp.log(jnp.sum(jnp.exp(e), axis=1, keepdims=True))
        o_ref[...] = e - lse


def _stage_c(parts, q, b3p, W4t, W4b, b4r, batchc, Wf, bfr):
    return pl.pallas_call(
        _stage_c_body,
        grid=(GRID,),
        in_specs=[
            pl.BlockSpec((NCORES, ROWS_B, 128), lambda i: (0, i, 0)),
            pl.BlockSpec((ROWS_B, 128), lambda i: (i, 0)),
            pl.BlockSpec((1, 128), lambda i: (0, 0)),
            pl.BlockSpec((128, 128), lambda i: (0, 0)),
            pl.BlockSpec((128, 128), lambda i: (0, 0)),
            pl.BlockSpec((1, 128), lambda i: (0, 0)),
            pl.BlockSpec((ROWS_B, 1), lambda i: (i, 0)),
            pl.BlockSpec((ROWS_B, 1), lambda i: (i + GRID, 0)),
            pl.BlockSpec((128, N_CLASSES), lambda i: (0, 0)),
            pl.BlockSpec((1, N_CLASSES), lambda i: (0, 0)),
        ],
        out_specs=pl.BlockSpec((N_GRAPHS, N_CLASSES), lambda i: (0, 0)),
        out_shape=jax.ShapeDtypeStruct((N_GRAPHS, N_CLASSES), jnp.float32),
        scratch_shapes=[
            pltpu.VMEM((N_GRAPHS, N_GRAPHS), jnp.float32),
            pltpu.VMEM((N_GRAPHS, 1), jnp.float32),
        ],
    )(parts, q, b3p, W4t, W4b, b4r, batchc, batchc, Wf, bfr)


def kernel(x, edge_index, batch, W1, b1, W2, b2, W3, b3, W4, b4, Wf, bf):
    edges_p = jnp.where(edge_index < HALF, 2 * edge_index,
                        2 * edge_index - (N_NODES - 1))
    edges_p = edges_p.reshape(2, NW * NCHUNK, CHUNK)
    batchc = batch.reshape(N_NODES, 1)
    zw = jnp.zeros((64, 64), jnp.float32)
    z128 = jnp.zeros((64, 128), jnp.float32)
    W2bd = jnp.block([[W2, zw], [zw, W2]])
    W3bd = jnp.block([[W3, zw], [zw, W3]])
    W4t = jnp.concatenate([W4, z128], axis=0)
    W4b = jnp.concatenate([z128, W4], axis=0)
    b1p = jnp.concatenate([b1, b1]).reshape(1, 128)
    b2p = jnp.concatenate([b2, b2]).reshape(1, 128)
    b3p = jnp.concatenate([b3, b3]).reshape(1, 128)
    b4r = b4.reshape(1, 128)
    bfr = bf.reshape(1, N_CLASSES)

    sc_segsum = _get_sc_segsum()
    p = _stage_a(x, W1)
    parts1 = sc_segsum(p.reshape(N_NODES, 64), edges_p)
    q = _stage_b(parts1.reshape(NCORES, HALF, 128), p, b1p, W2bd, b2p, W3bd)
    parts2 = sc_segsum(q.reshape(N_NODES, 64), edges_p)
    return _stage_c(parts2.reshape(NCORES, HALF, 128), q, b3p, W4t, W4b, b4r,
                    batchc, Wf, bfr)

# --- scband reference (transcript-rebuilt; emitter-appended) ---
"""Pipeline reference for scband-gin-45208825757773 (READ-ONLY COPY).

The authoritative reference and input builder live on the scoring server;
editing this copy changes nothing except your own understanding.
"""

import jax, jax.numpy as jnp
import numpy as np

N_NODES = 10000
N_EDGES = 320000
D_IN = 128
N_GRAPHS = 128
N_CLASSES = 10


def _glorot(key, shape):
    fan_in = shape[0]
    return jax.random.normal(key, shape, dtype=jnp.float32) * (1.0 / np.sqrt(fan_in))


def setup_inputs(seed: int = 0) -> dict:
    key = jax.random.key(seed)
    ks = jax.random.split(key, 16)
    x = jax.random.normal(ks[0], (N_NODES, D_IN), dtype=jnp.float32)
    edge_index = jax.random.randint(ks[1], (2, N_EDGES), 0, N_NODES, dtype=jnp.int32)
    batch = jnp.sort(jax.random.randint(ks[2], (N_NODES,), 0, N_GRAPHS, dtype=jnp.int32))
    # conv1 MLP: Linear(128,64) -> ReLU -> Linear(64,64)
    W1 = _glorot(ks[3], (D_IN, 64)); b1 = jnp.zeros((64,), jnp.float32)
    W2 = _glorot(ks[4], (64, 64));  b2 = jnp.zeros((64,), jnp.float32)
    # conv2 MLP: Linear(64,64) -> ReLU -> Linear(64,128)
    W3 = _glorot(ks[5], (64, 64));  b3 = jnp.zeros((64,), jnp.float32)
    W4 = _glorot(ks[6], (64, 128)); b4 = jnp.zeros((128,), jnp.float32)
    # fc: Linear(128, 10)
    Wf = _glorot(ks[7], (128, N_CLASSES)); bf = jnp.zeros((N_CLASSES,), jnp.float32)
    return {"x": x, "edge_index": edge_index, "batch": batch,
            "W1": W1, "b1": b1, "W2": W2, "b2": b2,
            "W3": W3, "b3": b3, "W4": W4, "b4": b4,
            "Wf": Wf, "bf": bf}


def _gin_conv(h, src, dst, Wa, ba, Wb, bb):
    # GINConv with eps=0: mlp((1+eps)*h + sum_{j in N(i)} h_j)
    n = h.shape[0]
    agg = jax.ops.segment_sum(h[src], dst, num_segments=n)
    z = h + agg
    z = jnp.maximum(z @ Wa + ba, 0.0)
    z = z @ Wb + bb
    return z


def reference(x, edge_index, batch, W1, b1, W2, b2, W3, b3, W4, b4, Wf, bf):
    src = edge_index[0]
    dst = edge_index[1]
    h = _gin_conv(x, src, dst, W1, b1, W2, b2)
    h = jnp.maximum(h, 0.0)  # F.relu after conv1
    # dropout: identity in eval mode
    h = _gin_conv(h, src, dst, W3, b3, W4, b4)
    # global mean pool over graphs
    sums = jax.ops.segment_sum(h, batch, num_segments=N_GRAPHS)
    counts = jax.ops.segment_sum(jnp.ones((h.shape[0], 1), jnp.float32), batch, num_segments=N_GRAPHS)
    pooled = sums / jnp.maximum(counts, 1.0)
    logits = pooled @ Wf + bf
    return jax.nn.log_softmax(logits, axis=1)

if __name__ == "__main__":
    import jax
    _d = setup_inputs()
    print(jax.jit(kernel)(*tuple(_d.values())))

</pallas_src>

<mosaic_0001>
#map = affine_map<(d0, d1) -> (0, 0)>
#map1 = affine_map<(d0, d1) -> (0, 0, 0)>
module attributes {stable_mosaic.version = 14 : i64} {
  func.func @_sc_segsum_body(%arg0: i32, %arg1: i32, %arg2: memref<10000x64xf32, #tpu.memory_space<hbm>>, %arg3: memref<2x2560x125xi32, #tpu.memory_space<hbm>>, %arg4: memref<2x10000x64xf32, #tpu.memory_space<hbm>>, %arg5: memref<80x125xi32, #tpu.memory_space<vmem>>, %arg6: memref<80x125xi32, #tpu.memory_space<vmem>>, %arg7: memref<125x64xf32, #tpu.memory_space<vmem>>, %arg8: memref<125x64xf32, #tpu.memory_space<vmem>>, %arg9: memref<125x64xf32, #tpu.memory_space<vmem>>, %arg10: memref<125x64xf32, #tpu.memory_space<vmem>>, %arg11: memref<10000x64xf32, #tpu.memory_space<vmem_shared>>, %arg12: memref<!tpu.dma_semaphore, #tpu.memory_space<semaphore_mem>>, %arg13: memref<!tpu.dma_semaphore, #tpu.memory_space<semaphore_mem>>, %arg14: memref<!tpu.dma_semaphore, #tpu.memory_space<semaphore_mem>>, %arg15: memref<!tpu.dma_semaphore, #tpu.memory_space<semaphore_mem>>) attributes {dimension_semantics = [#tpu.dimension_semantics<core_parallel>, #tpu.dimension_semantics<subcore_parallel>], iteration_bounds = array<i64: 2, 16>, scalar_prefetch = 0 : i64, scratch_operands = 11 : i64, tpu.core_type = #tpu.core_type<sc_vector_subcore>, window_params = [{transform_indices = #map}, {transform_indices = #map1}, {transform_indices = #map1}]} {
    %mul3A = arith.constant 16 : i32
    %mul3A_0 = arith.muli %arg0, %mul3A : i32
    %add3A = arith.addi %mul3A_0, %arg1 : i32
    %scan3A = arith.constant 0 : i32
    %scan3A_1 = arith.constant 0 : i32
    %scan3A_2 = arith.constant 125 : i32
    %scan3A_3 = arith.addi %scan3A_1, %scan3A_2 : i32
    %scan3A_4 = arith.constant 1 : i32
    scf.for %scan3A_96 = %scan3A_1 to %scan3A_3 step %scan3A_4  : i32 {
      %broadcast_in_dim3A = arith.constant 0.000000e+00 : f32
      %broadcast_in_dim3A_97 = vector.broadcast %broadcast_in_dim3A : f32 to vector<16xf32>
      %swap3A = arith.index_cast %scan3A_96 : i32 to index
      %swap3A_98 = arith.constant 0 : index
      %swap3A_99 = tpu.vector_load %arg7[%swap3A, %swap3A_98] {strides = array<i32>} : memref<125x64xf32, #tpu.memory_space<vmem>>, vector<1x16xf32>,
      %swap3A_100 = vector.shape_cast %swap3A_99 : vector<1x16xf32> to vector<16xf32>
      %swap3A_101 = vector.shape_cast %broadcast_in_dim3A_97 : vector<16xf32> to vector<1x16xf32>
      tpu.vector_store %arg7[%swap3A, %swap3A_98], %swap3A_101 {strides = array<i32>} : memref<125x64xf32, #tpu.memory_space<vmem>>, vector<1x16xf32>,
      %broadcast_in_dim3A_102 = arith.constant 0.000000e+00 : f32
      %broadcast_in_dim3A_103 = vector.broadcast %broadcast_in_dim3A_102 : f32 to vector<16xf32>
      %swap3A_104 = arith.index_cast %scan3A_96 : i32 to index
      %swap3A_105 = arith.constant 16 : index
      %swap3A_106 = tpu.vector_load %arg7[%swap3A_104, %swap3A_105] {strides = array<i32>} : memref<125x64xf32, #tpu.memory_space<vmem>>, vector<1x16xf32>,
      %swap3A_107 = vector.shape_cast %swap3A_106 : vector<1x16xf32> to vector<16xf32>
      %swap3A_108 = vector.shape_cast %broadcast_in_dim3A_103 : vector<16xf32> to vector<1x16xf32>
      tpu.vector_store %arg7[%swap3A_104, %swap3A_105], %swap3A_108 {strides = array<i32>} : memref<125x64xf32, #tpu.memory_space<vmem>>, vector<1x16xf32>,
      %broadcast_in_dim3A_109 = arith.constant 0.000000e+00 : f32
      %broadcast_in_dim3A_110 = vector.broadcast %broadcast_in_dim3A_109 : f32 to vector<16xf32>
      %swap3A_111 = arith.index_cast %scan3A_96 : i32 to index
      %swap3A_112 = arith.constant 32 : index
      %swap3A_113 = tpu.vector_load %arg7[%swap3A_111, %swap3A_112] {strides = array<i32>} : memref<125x64xf32, #tpu.memory_space<vmem>>, vector<1x16xf32>,
      %swap3A_114 = vector.shape_cast %swap3A_113 : vector<1x16xf32> to vector<16xf32>
      %swap3A_115 = vector.shape_cast %broadcast_in_dim3A_110 : vector<16xf32> to vector<1x16xf32>
      tpu.vector_store %arg7[%swap3A_111, %swap3A_112], %swap3A_115 {strides = array<i32>} : memref<125x64xf32, #tpu.memory_space<vmem>>, vector<1x16xf32>,
      %broadcast_in_dim3A_116 = arith.constant 0.000000e+00 : f32
      %broadcast_in_dim3A_117 = vector.broadcast %broadcast_in_dim3A_116 : f32 to vector<16xf32>
      %swap3A_118 = arith.index_cast %scan3A_96 : i32 to index
      %swap3A_119 = arith.constant 48 : index
      %swap3A_120 = tpu.vector_load %arg7[%swap3A_118, %swap3A_119] {strides = array<i32>} : memref<125x64xf32, #tpu.memory_space<vmem>>, vector<1x16xf32>,
      %swap3A_121 = vector.shape_cast %swap3A_120 : vector<1x16xf32> to vector<16xf32>
      %swap3A_122 = vector.shape_cast %broadcast_in_dim3A_117 : vector<16xf32> to vector<1x16xf32>
      tpu.vector_store %arg7[%swap3A_118, %swap3A_119], %swap3A_122 {strides = array<i32>} : memref<125x64xf32, #tpu.memory_space<vmem>>, vector<1x16xf32>,
    }
    %scan3A_5 = arith.constant 125 : i32
    %mul3A_6 = arith.constant 625 : i32
    %mul3A_7 = arith.muli %arg1, %mul3A_6 : i32
    %add3A_8 = arith.constant 0 : i32
    %add3A_9 = arith.addi %mul3A_7, %add3A_8 : i32
    "tpu.region"() ({
      %run_scoped3A_96 = tpu.sem_alloc : memref<!tpu.dma_semaphore, #tpu.memory_space<semaphore_mem>>
      %dma_start3A_97 = arith.constant 0 : i32
      %dma_start3A_98 = tpu.memref_slice %arg11[%add3A_9, %dma_start3A_97] : memref<10000x64xf32, #tpu.memory_space<vmem_shared>> -> memref<125x64xf32, #tpu.memory_space<vmem_shared>>
      %dma_start3A_99 = arith.constant 0 : i32
      %dma_start3A_100 = tpu.memref_slice %arg11[%add3A_9, %dma_start3A_99] : memref<10000x64xf32, #tpu.memory_space<vmem_shared>> -> memref<125x64xf32, #tpu.memory_space<vmem_shared>>
      tpu.enqueue_dma source(%arg7 : memref<125x64xf32, #tpu.memory_space<vmem>>) target(%dma_start3A_100 : memref<125x64xf32, #tpu.memory_space<vmem_shared>>) target_semaphore(%run_scoped3A_96 : memref<!tpu.dma_semaphore, #tpu.memory_space<semaphore_mem>>)
      %dma_wait3A_101 = arith.constant 0 : i32
      %dma_wait3A_102 = tpu.memref_slice %arg11[%add3A_9, %dma_wait3A_101] : memref<10000x64xf32, #tpu.memory_space<vmem_shared>> -> memref<125x64xf32, #tpu.memory_space<vmem_shared>>
      %dma_wait3A_103 = arith.constant 0 : i32
      %dma_wait3A_104 = tpu.memref_slice %arg11[%add3A_9, %dma_wait3A_103] : memref<10000x64xf32, #tpu.memory_space<vmem_shared>> -> memref<125x64xf32, #tpu.memory_space<vmem_shared>>
      tpu.wait_dma2 semaphore(%run_scoped3A_96 : memref<!tpu.dma_semaphore, #tpu.memory_space<semaphore_mem>>) src(%arg7 : memref<125x64xf32, #tpu.memory_space<vmem>>) dst(%dma_wait3A_104 : memref<125x64xf32, #tpu.memory_space<vmem_shared>>)
      tpu.yield
    }) : () -> ()
    %mul3A_10 = arith.constant 625 : i32
    %mul3A_11 = arith.muli %arg1, %mul3A_10 : i32
    %add3A_12 = arith.constant 125 : i32
    %add3A_13 = arith.addi %mul3A_11, %add3A_12 : i32
    "tpu.region"() ({
      %run_scoped3A_96 = tpu.sem_alloc : memref<!tpu.dma_semaphore, #tpu.memory_space<semaphore_mem>>
      %dma_start3A_97 = arith.constant 0 : i32
      %dma_start3A_98 = tpu.memref_slice %arg11[%add3A_13, %dma_start3A_97] : memref<10000x64xf32, #tpu.memory_space<vmem_shared>> -> memref<125x64xf32, #tpu.memory_space<vmem_shared>>
      %dma_start3A_99 = arith.constant 0 : i32
      %dma_start3A_100 = tpu.memref_slice %arg11[%add3A_13, %dma_start3A_99] : memref<10000x64xf32, #tpu.memory_space<vmem_shared>> -> memref<125x64xf32, #tpu.memory_space<vmem_shared>>
      tpu.enqueue_dma source(%arg7 : memref<125x64xf32, #tpu.memory_space<vmem>>) target(%dma_start3A_100 : memref<125x64xf32, #tpu.memory_space<vmem_shared>>) target_semaphore(%run_scoped3A_96 : memref<!tpu.dma_semaphore, #tpu.memory_space<semaphore_mem>>)
      %dma_wait3A_101 = arith.constant 0 : i32
      %dma_wait3A_102 = tpu.memref_slice %arg11[%add3A_13, %dma_wait3A_101] : memref<10000x64xf32, #tpu.memory_space<vmem_shared>> -> memref<125x64xf32, #tpu.memory_space<vmem_shared>>
      %dma_wait3A_103 = arith.constant 0 : i32
      %dma_wait3A_104 = tpu.memref_slice %arg11[%add3A_13, %dma_wait3A_103] : memref<10000x64xf32, #tpu.memory_space<vmem_shared>> -> memref<125x64xf32, #tpu.memory_space<vmem_shared>>
      tpu.wait_dma2 semaphore(%run_scoped3A_96 : memref<!tpu.dma_semaphore, #tpu.memory_space<semaphore_mem>>) src(%arg7 : memref<125x64xf32, #tpu.memory_space<vmem>>) dst(%dma_wait3A_104 : memref<125x64xf32, #tpu.memory_space<vmem_shared>>)
      tpu.yield
    }) : () -> ()
    %mul3A_14 = arith.constant 625 : i32
    %mul3A_15 = arith.muli %arg1, %mul3A_14 : i32
    %add3A_16 = arith.constant 250 : i32
    %add3A_17 = arith.addi %mul3A_15, %add3A_16 : i32
    "tpu.region"() ({
      %run_scoped3A_96 = tpu.sem_alloc : memref<!tpu.dma_semaphore, #tpu.memory_space<semaphore_mem>>
      %dma_start3A_97 = arith.constant 0 : i32
      %dma_start3A_98 = tpu.memref_slice %arg11[%add3A_17, %dma_start3A_97] : memref<10000x64xf32, #tpu.memory_space<vmem_shared>> -> memref<125x64xf32, #tpu.memory_space<vmem_shared>>
      %dma_start3A_99 = arith.constant 0 : i32
      %dma_start3A_100 = tpu.memref_slice %arg11[%add3A_17, %dma_start3A_99] : memref<10000x64xf32, #tpu.memory_space<vmem_shared>> -> memref<125x64xf32, #tpu.memory_space<vmem_shared>>
      tpu.enqueue_dma source(%arg7 : memref<125x64xf32, #tpu.memory_space<vmem>>) target(%dma_start3A_100 : memref<125x64xf32, #tpu.memory_space<vmem_shared>>) target_semaphore(%run_scoped3A_96 : memref<!tpu.dma_semaphore, #tpu.memory_space<semaphore_mem>>)
      %dma_wait3A_101 = arith.constant 0 : i32
      %dma_wait3A_102 = tpu.memref_slice %arg11[%add3A_17, %dma_wait3A_101] : memref<10000x64xf32, #tpu.memory_space<vmem_shared>> -> memref<125x64xf32, #tpu.memory_space<vmem_shared>>
      %dma_wait3A_103 = arith.constant 0 : i32
      %dma_wait3A_104 = tpu.memref_slice %arg11[%add3A_17, %dma_wait3A_103] : memref<10000x64xf32, #tpu.memory_space<vmem_shared>> -> memref<125x64xf32, #tpu.memory_space<vmem_shared>>
      tpu.wait_dma2 semaphore(%run_scoped3A_96 : memref<!tpu.dma_semaphore, #tpu.memory_space<semaphore_mem>>) src(%arg7 : memref<125x64xf32, #tpu.memory_space<vmem>>) dst(%dma_wait3A_104 : memref<125x64xf32, #tpu.memory_space<vmem_shared>>)
      tpu.yield
    }) : () -> ()
    %mul3A_18 = arith.constant 625 : i32
    %mul3A_19 = arith.muli %arg1, %mul3A_18 : i32
    %add3A_20 = arith.constant 375 : i32
    %add3A_21 = arith.addi %mul3A_19, %add3A_20 : i32
    "tpu.region"() ({
      %run_scoped3A_96 = tpu.sem_alloc : memref<!tpu.dma_semaphore, #tpu.memory_space<semaphore_mem>>
      %dma_start3A_97 = arith.constant 0 : i32
      %dma_start3A_98 = tpu.memref_slice %arg11[%add3A_21, %dma_start3A_97] : memref<10000x64xf32, #tpu.memory_space<vmem_shared>> -> memref<125x64xf32, #tpu.memory_space<vmem_shared>>
      %dma_start3A_99 = arith.constant 0 : i32
      %dma_start3A_100 = tpu.memref_slice %arg11[%add3A_21, %dma_start3A_99] : memref<10000x64xf32, #tpu.memory_space<vmem_shared>> -> memref<125x64xf32, #tpu.memory_space<vmem_shared>>
      tpu.enqueue_dma source(%arg7 : memref<125x64xf32, #tpu.memory_space<vmem>>) target(%dma_start3A_100 : memref<125x64xf32, #tpu.memory_space<vmem_shared>>) target_semaphore(%run_scoped3A_96 : memref<!tpu.dma_semaphore, #tpu.memory_space<semaphore_mem>>)
      %dma_wait3A_101 = arith.constant 0 : i32
      %dma_wait3A_102 = tpu.memref_slice %arg11[%add3A_21, %dma_wait3A_101] : memref<10000x64xf32, #tpu.memory_space<vmem_shared>> -> memref<125x64xf32, #tpu.memory_space<vmem_shared>>
      %dma_wait3A_103 = arith.constant 0 : i32
      %dma_wait3A_104 = tpu.memref_slice %arg11[%add3A_21, %dma_wait3A_103] : memref<10000x64xf32, #tpu.memory_space<vmem_shared>> -> memref<125x64xf32, #tpu.memory_space<vmem_shared>>
      tpu.wait_dma2 semaphore(%run_scoped3A_96 : memref<!tpu.dma_semaphore, #tpu.memory_space<semaphore_mem>>) src(%arg7 : memref<125x64xf32, #tpu.memory_space<vmem>>) dst(%dma_wait3A_104 : memref<125x64xf32, #tpu.memory_space<vmem_shared>>)
      tpu.yield
    }) : () -> ()
    %mul3A_22 = arith.constant 625 : i32
    %mul3A_23 = arith.muli %arg1, %mul3A_22 : i32
    %add3A_24 = arith.constant 500 : i32
    %add3A_25 = arith.addi %mul3A_23, %add3A_24 : i32
    "tpu.region"() ({
      %run_scoped3A_96 = tpu.sem_alloc : memref<!tpu.dma_semaphore, #tpu.memory_space<semaphore_mem>>
      %dma_start3A_97 = arith.constant 0 : i32
      %dma_start3A_98 = tpu.memref_slice %arg11[%add3A_25, %dma_start3A_97] : memref<10000x64xf32, #tpu.memory_space<vmem_shared>> -> memref<125x64xf32, #tpu.memory_space<vmem_shared>>
      %dma_start3A_99 = arith.constant 0 : i32
      %dma_start3A_100 = tpu.memref_slice %arg11[%add3A_25, %dma_start3A_99] : memref<10000x64xf32, #tpu.memory_space<vmem_shared>> -> memref<125x64xf32, #tpu.memory_space<vmem_shared>>
      tpu.enqueue_dma source(%arg7 : memref<125x64xf32, #tpu.memory_space<vmem>>) target(%dma_start3A_100 : memref<125x64xf32, #tpu.memory_space<vmem_shared>>) target_semaphore(%run_scoped3A_96 : memref<!tpu.dma_semaphore, #tpu.memory_space<semaphore_mem>>)
      %dma_wait3A_101 = arith.constant 0 : i32
      %dma_wait3A_102 = tpu.memref_slice %arg11[%add3A_25, %dma_wait3A_101] : memref<10000x64xf32, #tpu.memory_space<vmem_shared>> -> memref<125x64xf32, #tpu.memory_space<vmem_shared>>
      %dma_wait3A_103 = arith.constant 0 : i32
      %dma_wait3A_104 = tpu.memref_slice %arg11[%add3A_25, %dma_wait3A_103] : memref<10000x64xf32, #tpu.memory_space<vmem_shared>> -> memref<125x64xf32, #tpu.memory_space<vmem_shared>>
      tpu.wait_dma2 semaphore(%run_scoped3A_96 : memref<!tpu.dma_semaphore, #tpu.memory_space<semaphore_mem>>) src(%arg7 : memref<125x64xf32, #tpu.memory_space<vmem>>) dst(%dma_wait3A_104 : memref<125x64xf32, #tpu.memory_space<vmem_shared>>)
      tpu.yield
    }) : () -> ()
    %mul3A_26 = arith.constant 80 : i32
    %mul3A_27 = arith.muli %add3A, %mul3A_26 : i32
    %run_scoped3A = arith.constant 0 : i32
    "tpu.region"() ({
      %run_scoped3A_96 = tpu.sem_alloc : memref<!tpu.dma_semaphore, #tpu.memory_space<semaphore_mem>>
      %dma_start3A_97 = arith.constant 0 : i32
      %dma_start3A_98 = tpu.memref_slice %arg3[%run_scoped3A, %mul3A_27, %dma_start3A_97] : memref<2x2560x125xi32, #tpu.memory_space<hbm>> -> memref<1x80x125xi32, #tpu.memory_space<hbm>>
      %dma_start3A_99 = tpu.memref_squeeze %dma_start3A_98 : memref<1x80x125xi32, #tpu.memory_space<hbm>> -> memref<80x125xi32, #tpu.memory_space<hbm>>
      %dma_start3A_100 = arith.constant 0 : i32
      %dma_start3A_101 = tpu.memref_slice %arg3[%run_scoped3A, %mul3A_27, %dma_start3A_100] : memref<2x2560x125xi32, #tpu.memory_space<hbm>> -> memref<1x80x125xi32, #tpu.memory_space<hbm>>
      %dma_start3A_102 = tpu.memref_squeeze %dma_start3A_101 : memref<1x80x125xi32, #tpu.memory_space<hbm>> -> memref<80x125xi32, #tpu.memory_space<hbm>>
      tpu.enqueue_dma source(%dma_start3A_102 : memref<80x125xi32, #tpu.memory_space<hbm>>) target(%arg5 : memref<80x125xi32, #tpu.memory_space<vmem>>) target_semaphore(%run_scoped3A_96 : memref<!tpu.dma_semaphore, #tpu.memory_space<semaphore_mem>>)
      %dma_wait3A_103 = arith.constant 0 : i32
      %dma_wait3A_104 = tpu.memref_slice %arg3[%run_scoped3A, %mul3A_27, %dma_wait3A_103] : memref<2x2560x125xi32, #tpu.memory_space<hbm>> -> memref<1x80x125xi32, #tpu.memory_space<hbm>>
      %dma_wait3A_105 = tpu.memref_squeeze %dma_wait3A_104 : memref<1x80x125xi32, #tpu.memory_space<hbm>> -> memref<80x125xi32, #tpu.memory_space<hbm>>
      %dma_wait3A_106 = arith.constant 0 : i32
      %dma_wait3A_107 = tpu.memref_slice %arg3[%run_scoped3A, %mul3A_27, %dma_wait3A_106] : memref<2x2560x125xi32, #tpu.memory_space<hbm>> -> memref<1x80x125xi32, #tpu.memory_space<hbm>>
      %dma_wait3A_108 = tpu.memref_squeeze %dma_wait3A_107 : memref<1x80x125xi32, #tpu.memory_space<hbm>> -> memref<80x125xi32, #tpu.memory_space<hbm>>
      tpu.wait_dma2 semaphore(%run_scoped3A_96 : memref<!tpu.dma_semaphore, #tpu.memory_space<semaphore_mem>>) src(%dma_wait3A_108 : memref<80x125xi32, #tpu.memory_space<hbm>>) dst(%arg5 : memref<80x125xi32, #tpu.memory_space<vmem>>)
      tpu.yield
    }) : () -> ()
    %mul3A_28 = arith.constant 80 : i32
    %mul3A_29 = arith.muli %add3A, %mul3A_28 : i32
    %run_scoped3A_30 = arith.constant 1 : i32
    "tpu.region"() ({
      %run_scoped3A_96 = tpu.sem_alloc : memref<!tpu.dma_semaphore, #tpu.memory_space<semaphore_mem>>
      %dma_start3A_97 = arith.constant 0 : i32
      %dma_start3A_98 = tpu.memref_slice %arg3[%run_scoped3A_30, %mul3A_29, %dma_start3A_97] : memref<2x2560x125xi32, #tpu.memory_space<hbm>> -> memref<1x80x125xi32, #tpu.memory_space<hbm>>
      %dma_start3A_99 = tpu.memref_squeeze %dma_start3A_98 : memref<1x80x125xi32, #tpu.memory_space<hbm>> -> memref<80x125xi32, #tpu.memory_space<hbm>>
      %dma_start3A_100 = arith.constant 0 : i32
      %dma_start3A_101 = tpu.memref_slice %arg3[%run_scoped3A_30, %mul3A_29, %dma_start3A_100] : memref<2x2560x125xi32, #tpu.memory_space<hbm>> -> memref<1x80x125xi32, #tpu.memory_space<hbm>>
      %dma_start3A_102 = tpu.memref_squeeze %dma_start3A_101 : memref<1x80x125xi32, #tpu.memory_space<hbm>> -> memref<80x125xi32, #tpu.memory_space<hbm>>
      tpu.enqueue_dma source(%dma_start3A_102 : memref<80x125xi32, #tpu.memory_space<hbm>>) target(%arg6 : memref<80x125xi32, #tpu.memory_space<vmem>>) target_semaphore(%run_scoped3A_96 : memref<!tpu.dma_semaphore, #tpu.memory_space<semaphore_mem>>)
      %dma_wait3A_103 = arith.constant 0 : i32
      %dma_wait3A_104 = tpu.memref_slice %arg3[%run_scoped3A_30, %mul3A_29, %dma_wait3A_103] : memref<2x2560x125xi32, #tpu.memory_space<hbm>> -> memref<1x80x125xi32, #tpu.memory_space<hbm>>
      %dma_wait3A_105 = tpu.memref_squeeze %dma_wait3A_104 : memref<1x80x125xi32, #tpu.memory_space<hbm>> -> memref<80x125xi32, #tpu.memory_space<hbm>>
      %dma_wait3A_106 = arith.constant 0 : i32
      %dma_wait3A_107 = tpu.memref_slice %arg3[%run_scoped3A_30, %mul3A_29, %dma_wait3A_106] : memref<2x2560x125xi32, #tpu.memory_space<hbm>> -> memref<1x80x125xi32, #tpu.memory_space<hbm>>
      %dma_wait3A_108 = tpu.memref_squeeze %dma_wait3A_107 : memref<1x80x125xi32, #tpu.memory_space<hbm>> -> memref<80x125xi32, #tpu.memory_space<hbm>>
      tpu.wait_dma2 semaphore(%run_scoped3A_96 : memref<!tpu.dma_semaphore, #tpu.memory_space<semaphore_mem>>) src(%dma_wait3A_108 : memref<80x125xi32, #tpu.memory_space<hbm>>) dst(%arg6 : memref<80x125xi32, #tpu.memory_space<vmem>>)
      tpu.yield
    }) : () -> ()
    %barrier3A = arith.constant 0 : index
    tpu.barrier barrier_id(%barrier3A)
    %dma_start3A = arith.constant 0 : i32
    %dma_start3A_31 = arith.constant 0 : i32
    %dma_start3A_32 = tpu.memref_slice %arg5[%dma_start3A, %dma_start3A_31] : memref<80x125xi32, #tpu.memory_space<vmem>> -> memref<1x125xi32, #tpu.memory_space<vmem>>
    %dma_start3A_33 = tpu.memref_squeeze %dma_start3A_32 : memref<1x125xi32, #tpu.memory_space<vmem>> -> memref<125xi32, #tpu.memory_space<vmem>>
    %dma_start3A_34 = arith.constant 0 : i32
    %dma_start3A_35 = arith.constant 0 : i32
    %dma_start3A_36 = tpu.memref_slice %arg2[%dma_start3A_34, %dma_start3A_35] : memref<10000x64xf32, #tpu.memory_space<hbm>> -> memref<10000x64xf32, #tpu.memory_space<hbm>>
    tpu.enqueue_indirect_dma source(%dma_start3A_36 : memref<10000x64xf32, #tpu.memory_space<hbm>>) target(%arg7 : memref<125x64xf32, #tpu.memory_space<vmem>>) offsets(%dma_start3A_33 : memref<125xi32, #tpu.memory_space<vmem>>) semaphore(%arg12 : memref<!tpu.dma_semaphore, #tpu.memory_space<semaphore_mem>>)
    %dma_start3A_37 = arith.constant 1 : i32
    %dma_start3A_38 = arith.constant 0 : i32
    %dma_start3A_39 = tpu.memref_slice %arg5[%dma_start3A_37, %dma_start3A_38] : memref<80x125xi32, #tpu.memory_space<vmem>> -> memref<1x125xi32, #tpu.memory_space<vmem>>
    %dma_start3A_40 = tpu.memref_squeeze %dma_start3A_39 : memref<1x125xi32, #tpu.memory_space<vmem>> -> memref<125xi32, #tpu.memory_space<vmem>>
    %dma_start3A_41 = arith.constant 0 : i32
    %dma_start3A_42 = arith.constant 0 : i32
    %dma_start3A_43 = tpu.memref_slice %arg2[%dma_start3A_41, %dma_start3A_42] : memref<10000x64xf32, #tpu.memory_space<hbm>> -> memref<10000x64xf32, #tpu.memory_space<hbm>>
    tpu.enqueue_indirect_dma source(%dma_start3A_43 : memref<10000x64xf32, #tpu.memory_space<hbm>>) target(%arg8 : memref<125x64xf32, #tpu.memory_space<vmem>>) offsets(%dma_start3A_40 : memref<125xi32, #tpu.memory_space<vmem>>) semaphore(%arg13 : memref<!tpu.dma_semaphore, #tpu.memory_space<semaphore_mem>>)
    %dma_start3A_44 = arith.constant 2 : i32
    %dma_start3A_45 = arith.constant 0 : i32
    %dma_start3A_46 = tpu.memref_slice %arg5[%dma_start3A_44, %dma_start3A_45] : memref<80x125xi32, #tpu.memory_space<vmem>> -> memref<1x125xi32, #tpu.memory_space<vmem>>
    %dma_start3A_47 = tpu.memref_squeeze %dma_start3A_46 : memref<1x125xi32, #tpu.memory_space<vmem>> -> memref<125xi32, #tpu.memory_space<vmem>>
    %dma_start3A_48 = arith.constant 0 : i32
    %dma_start3A_49 = arith.constant 0 : i32
    %dma_start3A_50 = tpu.memref_slice %arg2[%dma_start3A_48, %dma_start3A_49] : memref<10000x64xf32, #tpu.memory_space<hbm>> -> memref<10000x64xf32, #tpu.memory_space<hbm>>
    tpu.enqueue_indirect_dma source(%dma_start3A_50 : memref<10000x64xf32, #tpu.memory_space<hbm>>) target(%arg9 : memref<125x64xf32, #tpu.memory_space<vmem>>) offsets(%dma_start3A_47 : memref<125xi32, #tpu.memory_space<vmem>>) semaphore(%arg14 : memref<!tpu.dma_semaphore, #tpu.memory_space<semaphore_mem>>)
    %dma_start3A_51 = arith.constant 3 : i32
    %dma_start3A_52 = arith.constant 0 : i32
    %dma_start3A_53 = tpu.memref_slice %arg5[%dma_start3A_51, %dma_start3A_52] : memref<80x125xi32, #tpu.memory_space<vmem>> -> memref<1x125xi32, #tpu.memory_space<vmem>>
    %dma_start3A_54 = tpu.memref_squeeze %dma_start3A_53 : memref<1x125xi32, #tpu.memory_space<vmem>> -> memref<125xi32, #tpu.memory_space<vmem>>
    %dma_start3A_55 = arith.constant 0 : i32
    %dma_start3A_56 = arith.constant 0 : i32
    %dma_start3A_57 = tpu.memref_slice %arg2[%dma_start3A_55, %dma_start3A_56] : memref<10000x64xf32, #tpu.memory_space<hbm>> -> memref<10000x64xf32, #tpu.memory_space<hbm>>
    tpu.enqueue_indirect_dma source(%dma_start3A_57 : memref<10000x64xf32, #tpu.memory_space<hbm>>) target(%arg10 : memref<125x64xf32, #tpu.memory_space<vmem>>) offsets(%dma_start3A_54 : memref<125xi32, #tpu.memory_space<vmem>>) semaphore(%arg15 : memref<!tpu.dma_semaphore, #tpu.memory_space<semaphore_mem>>)
    %scan3A_58 = arith.constant 0 : i32
    %scan3A_59 = arith.constant 0 : i32
    %scan3A_60 = arith.constant 20 : i32
    %scan3A_61 = arith.addi %scan3A_59, %scan3A_60 : i32
    %scan3A_62 = arith.constant 1 : i32
    scf.for %scan3A_96 = %scan3A_59 to %scan3A_61 step %scan3A_62  : i32 {
      %mul3A_97 = arith.constant 4 : i32
      %mul3A_98 = arith.muli %scan3A_96, %mul3A_97 : i32
      %add3A_99 = arith.constant 0 : i32
      %add3A_100 = arith.addi %mul3A_98, %add3A_99 : i32
      %dma_wait3A_101 = arith.constant 0 : i32
      %dma_wait3A_102 = tpu.memref_slice %arg5[%add3A_100, %dma_wait3A_101] : memref<80x125xi32, #tpu.memory_space<vmem>> -> memref<1x125xi32, #tpu.memory_space<vmem>>
      %dma_wait3A_103 = tpu.memref_squeeze %dma_wait3A_102 : memref<1x125xi32, #tpu.memory_space<vmem>> -> memref<125xi32, #tpu.memory_space<vmem>>
      %dma_wait3A_104 = arith.constant 0 : i32
      %dma_wait3A_105 = arith.constant 0 : i32
      %dma_wait3A_106 = tpu.memref_slice %arg2[%dma_wait3A_104, %dma_wait3A_105] : memref<10000x64xf32, #tpu.memory_space<hbm>> -> memref<10000x64xf32, #tpu.memory_space<hbm>>
      tpu.wait_indirect_dma semaphore(%arg12 : memref<!tpu.dma_semaphore, #tpu.memory_space<semaphore_mem>>) src(%dma_wait3A_106 : memref<10000x64xf32, #tpu.memory_space<hbm>>) dst(%arg7 : memref<125x64xf32, #tpu.memory_space<vmem>>)
      "tpu.region"() ({
        %run_scoped3A_176 = tpu.sem_alloc : memref<!tpu.dma_semaphore, #tpu.memory_space<semaphore_mem>>
        %dma_start3A_177 = arith.constant 0 : i32
        %dma_start3A_178 = tpu.memref_slice %arg6[%add3A_100, %dma_start3A_177] : memref<80x125xi32, #tpu.memory_space<vmem>> -> memref<1x125xi32, #tpu.memory_space<vmem>>
        %dma_start3A_179 = tpu.memref_squeeze %dma_start3A_178 : memref<1x125xi32, #tpu.memory_space<vmem>> -> memref<125xi32, #tpu.memory_space<vmem>>
        %dma_start3A_180 = arith.constant 0 : i32
        %dma_start3A_181 = arith.constant 0 : i32
        %dma_start3A_182 = tpu.memref_slice %arg11[%dma_start3A_180, %dma_start3A_181] : memref<10000x64xf32, #tpu.memory_space<vmem_shared>> -> memref<10000x64xf32, #tpu.memory_space<vmem_shared>>
        tpu.enqueue_indirect_dma source(%arg7 : memref<125x64xf32, #tpu.memory_space<vmem>>) target(%dma_start3A_182 : memref<10000x64xf32, #tpu.memory_space<vmem_shared>>) offsets(%dma_start3A_179 : memref<125xi32, #tpu.memory_space<vmem>>) semaphore(%run_scoped3A_176 : memref<!tpu.dma_semaphore, #tpu.memory_space<semaphore_mem>>) {add = true}
        %dma_wait3A_183 = arith.constant 0 : i32
        %dma_wait3A_184 = tpu.memref_slice %arg6[%add3A_100, %dma_wait3A_183] : memref<80x125xi32, #tpu.memory_space<vmem>> -> memref<1x125xi32, #tpu.memory_space<vmem>>
        %dma_wait3A_185 = tpu.memref_squeeze %dma_wait3A_184 : memref<1x125xi32, #tpu.memory_space<vmem>> -> memref<125xi32, #tpu.memory_space<vmem>>
        %dma_wait3A_186 = arith.constant 0 : i32
        %dma_wait3A_187 = arith.constant 0 : i32
        %dma_wait3A_188 = tpu.memref_slice %arg11[%dma_wait3A_186, %dma_wait3A_187] : memref<10000x64xf32, #tpu.memory_space<vmem_shared>> -> memref<10000x64xf32, #tpu.memory_space<vmem_shared>>
        tpu.wait_indirect_dma semaphore(%run_scoped3A_176 : memref<!tpu.dma_semaphore, #tpu.memory_space<semaphore_mem>>) src(%arg7 : memref<125x64xf32, #tpu.memory_space<vmem>>) dst(%dma_wait3A_188 : memref<10000x64xf32, #tpu.memory_space<vmem_shared>>)
        tpu.yield
      }) : () -> ()
      %add3A_107 = arith.constant 4 : i32
      %add3A_108 = arith.addi %add3A_100, %add3A_107 : i32
      %min3A = arith.constant 79 : i32
      %min3A_109 = arith.minsi %add3A_108, %min3A : i32
      %dma_start3A_110 = arith.constant 0 : i32
      %dma_start3A_111 = tpu.memref_slice %arg5[%min3A_109, %dma_start3A_110] : memref<80x125xi32, #tpu.memory_space<vmem>> -> memref<1x125xi32, #tpu.memory_space<vmem>>
      %dma_start3A_112 = tpu.memref_squeeze %dma_start3A_111 : memref<1x125xi32, #tpu.memory_space<vmem>> -> memref<125xi32, #tpu.memory_space<vmem>>
      %dma_start3A_113 = arith.constant 0 : i32
      %dma_start3A_114 = arith.constant 0 : i32
      %dma_start3A_115 = tpu.memref_slice %arg2[%dma_start3A_113, %dma_start3A_114] : memref<10000x64xf32, #tpu.memory_space<hbm>> -> memref<10000x64xf32, #tpu.memory_space<hbm>>
      tpu.enqueue_indirect_dma source(%dma_start3A_115 : memref<10000x64xf32, #tpu.memory_space<hbm>>) target(%arg7 : memref<125x64xf32, #tpu.memory_space<vmem>>) offsets(%dma_start3A_112 : memref<125xi32, #tpu.memory_space<vmem>>) semaphore(%arg12 : memref<!tpu.dma_semaphore, #tpu.memory_space<semaphore_mem>>)
      %mul3A_116 = arith.constant 4 : i32
      %mul3A_117 = arith.muli %scan3A_96, %mul3A_116 : i32
      %add3A_118 = arith.constant 1 : i32
      %add3A_119 = arith.addi %mul3A_117, %add3A_118 : i32
      %dma_wait3A_120 = arith.constant 0 : i32
      %dma_wait3A_121 = tpu.memref_slice %arg5[%add3A_119, %dma_wait3A_120] : memref<80x125xi32, #tpu.memory_space<vmem>> -> memref<1x125xi32, #tpu.memory_space<vmem>>
      %dma_wait3A_122 = tpu.memref_squeeze %dma_wait3A_121 : memref<1x125xi32, #tpu.memory_space<vmem>> -> memref<125xi32, #tpu.memory_space<vmem>>
      %dma_wait3A_123 = arith.constant 0 : i32
      %dma_wait3A_124 = arith.constant 0 : i32
      %dma_wait3A_125 = tpu.memref_slice %arg2[%dma_wait3A_123, %dma_wait3A_124] : memref<10000x64xf32, #tpu.memory_space<hbm>> -> memref<10000x64xf32, #tpu.memory_space<hbm>>
      tpu.wait_indirect_dma semaphore(%arg13 : memref<!tpu.dma_semaphore, #tpu.memory_space<semaphore_mem>>) src(%dma_wait3A_125 : memref<10000x64xf32, #tpu.memory_space<hbm>>) dst(%arg8 : memref<125x64xf32, #tpu.memory_space<vmem>>)
      "tpu.region"() ({
        %run_scoped3A_176 = tpu.sem_alloc : memref<!tpu.dma_semaphore, #tpu.memory_space<semaphore_mem>>
        %dma_start3A_177 = arith.constant 0 : i32
        %dma_start3A_178 = tpu.memref_slice %arg6[%add3A_119, %dma_start3A_177] : memref<80x125xi32, #tpu.memory_space<vmem>> -> memref<1x125xi32, #tpu.memory_space<vmem>>
        %dma_start3A_179 = tpu.memref_squeeze %dma_start3A_178 : memref<1x125xi32, #tpu.memory_space<vmem>> -> memref<125xi32, #tpu.memory_space<vmem>>
        %dma_start3A_180 = arith.constant 0 : i32
        %dma_start3A_181 = arith.constant 0 : i32
        %dma_start3A_182 = tpu.memref_slice %arg11[%dma_start3A_180, %dma_start3A_181] : memref<10000x64xf32, #tpu.memory_space<vmem_shared>> -> memref<10000x64xf32, #tpu.memory_space<vmem_shared>>
        tpu.enqueue_indirect_dma source(%arg8 : memref<125x64xf32, #tpu.memory_space<vmem>>) target(%dma_start3A_182 : memref<10000x64xf32, #tpu.memory_space<vmem_shared>>) offsets(%dma_start3A_179 : memref<125xi32, #tpu.memory_space<vmem>>) semaphore(%run_scoped3A_176 : memref<!tpu.dma_semaphore, #tpu.memory_space<semaphore_mem>>) {add = true}
        %dma_wait3A_183 = arith.constant 0 : i32
        %dma_wait3A_184 = tpu.memref_slice %arg6[%add3A_119, %dma_wait3A_183] : memref<80x125xi32, #tpu.memory_space<vmem>> -> memref<1x125xi32, #tpu.memory_space<vmem>>
        %dma_wait3A_185 = tpu.memref_squeeze %dma_wait3A_184 : memref<1x125xi32, #tpu.memory_space<vmem>> -> memref<125xi32, #tpu.memory_space<vmem>>
        %dma_wait3A_186 = arith.constant 0 : i32
        %dma_wait3A_187 = arith.constant 0 : i32
        %dma_wait3A_188 = tpu.memref_slice %arg11[%dma_wait3A_186, %dma_wait3A_187] : memref<10000x64xf32, #tpu.memory_space<vmem_shared>> -> memref<10000x64xf32, #tpu.memory_space<vmem_shared>>
        tpu.wait_indirect_dma semaphore(%run_scoped3A_176 : memref<!tpu.dma_semaphore, #tpu.memory_space<semaphore_mem>>) src(%arg8 : memref<125x64xf32, #tpu.memory_space<vmem>>) dst(%dma_wait3A_188 : memref<10000x64xf32, #tpu.memory_space<vmem_shared>>)
        tpu.yield
      }) : () -> ()
      %add3A_126 = arith.constant 4 : i32
      %add3A_127 = arith.addi %add3A_119, %add3A_126 : i32
      %min3A_128 = arith.constant 79 : i32
      %min3A_129 = arith.minsi %add3A_127, %min3A_128 : i32
      %dma_start3A_130 = arith.constant 0 : i32
      %dma_start3A_131 = tpu.memref_slice %arg5[%min3A_129, %dma_start3A_130] : memref<80x125xi32, #tpu.memory_space<vmem>> -> memref<1x125xi32, #tpu.memory_space<vmem>>
      %dma_start3A_132 = tpu.memref_squeeze %dma_start3A_131 : memref<1x125xi32, #tpu.memory_space<vmem>> -> memref<125xi32, #tpu.memory_space<vmem>>
      %dma_start3A_133 = arith.constant 0 : i32
      %dma_start3A_134 = arith.constant 0 : i32
      %dma_start3A_135 = tpu.memref_slice %arg2[%dma_start3A_133, %dma_start3A_134] : memref<10000x64xf32, #tpu.memory_space<hbm>> -> memref<10000x64xf32, #tpu.memory_space<hbm>>
      tpu.enqueue_indirect_dma source(%dma_start3A_135 : memref<10000x64xf32, #tpu.memory_space<hbm>>) target(%arg8 : memref<125x64xf32, #tpu.memory_space<vmem>>) offsets(%dma_start3A_132 : memref<125xi32, #tpu.memory_space<vmem>>) semaphore(%arg13 : memref<!tpu.dma_semaphore, #tpu.memory_space<semaphore_mem>>)
      %mul3A_136 = arith.constant 4 : i32
      %mul3A_137 = arith.muli %scan3A_96, %mul3A_136 : i32
      %add3A_138 = arith.constant 2 : i32
      %add3A_139 = arith.addi %mul3A_137, %add3A_138 : i32
      %dma_wait3A_140 = arith.constant 0 : i32
      %dma_wait3A_141 = tpu.memref_slice %arg5[%add3A_139, %dma_wait3A_140] : memref<80x125xi32, #tpu.memory_space<vmem>> -> memref<1x125xi32, #tpu.memory_space<vmem>>
      %dma_wait3A_142 = tpu.memref_squeeze %dma_wait3A_141 : memref<1x125xi32, #tpu.memory_space<vmem>> -> memref<125xi32, #tpu.memory_space<vmem>>
      %dma_wait3A_143 = arith.constant 0 : i32
      %dma_wait3A_144 = arith.constant 0 : i32
      %dma_wait3A_145 = tpu.memref_slice %arg2[%dma_wait3A_143, %dma_wait3A_144] : memref<10000x64xf32, #tpu.memory_space<hbm>> -> memref<10000x64xf32, #tpu.memory_space<hbm>>
      tpu.wait_indirect_dma semaphore(%arg14 : memref<!tpu.dma_semaphore, #tpu.memory_space<semaphore_mem>>) src(%dma_wait3A_145 : memref<10000x64xf32, #tpu.memory_space<hbm>>) dst(%arg9 : memref<125x64xf32, #tpu.memory_space<vmem>>)
      "tpu.region"() ({
        %run_scoped3A_176 = tpu.sem_alloc : memref<!tpu.dma_semaphore, #tpu.memory_space<semaphore_mem>>
        %dma_start3A_177 = arith.constant 0 : i32
        %dma_start3A_178 = tpu.memref_slice %arg6[%add3A_139, %dma_start3A_177] : memref<80x125xi32, #tpu.memory_space<vmem>> -> memref<1x125xi32, #tpu.memory_space<vmem>>
        %dma_start3A_179 = tpu.memref_squeeze %dma_start3A_178 : memref<1x125xi32, #tpu.memory_space<vmem>> -> memref<125xi32, #tpu.memory_space<vmem>>
        %dma_start3A_180 = arith.constant 0 : i32
        %dma_start3A_181 = arith.constant 0 : i32
        %dma_start3A_182 = tpu.memref_slice %arg11[%dma_start3A_180, %dma_start3A_181] : memref<10000x64xf32, #tpu.memory_space<vmem_shared>> -> memref<10000x64xf32, #tpu.memory_space<vmem_shared>>
        tpu.enqueue_indirect_dma source(%arg9 : memref<125x64xf32, #tpu.memory_space<vmem>>) target(%dma_start3A_182 : memref<10000x64xf32, #tpu.memory_space<vmem_shared>>) offsets(%dma_start3A_179 : memref<125xi32, #tpu.memory_space<vmem>>) semaphore(%run_scoped3A_176 : memref<!tpu.dma_semaphore, #tpu.memory_space<semaphore_mem>>) {add = true}
        %dma_wait3A_183 = arith.constant 0 : i32
        %dma_wait3A_184 = tpu.memref_slice %arg6[%add3A_139, %dma_wait3A_183] : memref<80x125xi32, #tpu.memory_space<vmem>> -> memref<1x125xi32, #tpu.memory_space<vmem>>
        %dma_wait3A_185 = tpu.memref_squeeze %dma_wait3A_184 : memref<1x125xi32, #tpu.memory_space<vmem>> -> memref<125xi32, #tpu.memory_space<vmem>>
        %dma_wait3A_186 = arith.constant 0 : i32
        %dma_wait3A_187 = arith.constant 0 : i32
        %dma_wait3A_188 = tpu.memref_slice %arg11[%dma_wait3A_186, %dma_wait3A_187] : memref<10000x64xf32, #tpu.memory_space<vmem_shared>> -> memref<10000x64xf32, #tpu.memory_space<vmem_shared>>
        tpu.wait_indirect_dma semaphore(%run_scoped3A_176 : memref<!tpu.dma_semaphore, #tpu.memory_space<semaphore_mem>>) src(%arg9 : memref<125x64xf32, #tpu.memory_space<vmem>>) dst(%dma_wait3A_188 : memref<10000x64xf32, #tpu.memory_space<vmem_shared>>)
        tpu.yield
      }) : () -> ()
      %add3A_146 = arith.constant 4 : i32
      %add3A_147 = arith.addi %add3A_139, %add3A_146 : i32
      %min3A_148 = arith.constant 79 : i32
      %min3A_149 = arith.minsi %add3A_147, %min3A_148 : i32
      %dma_start3A_150 = arith.constant 0 : i32
      %dma_start3A_151 = tpu.memref_slice %arg5[%min3A_149, %dma_start3A_150] : memref<80x125xi32, #tpu.memory_space<vmem>> -> memref<1x125xi32, #tpu.memory_space<vmem>>
      %dma_start3A_152 = tpu.memref_squeeze %dma_start3A_151 : memref<1x125xi32, #tpu.memory_space<vmem>> -> memref<125xi32, #tpu.memory_space<vmem>>
      %dma_start3A_153 = arith.constant 0 : i32
      %dma_start3A_154 = arith.constant 0 : i32
      %dma_start3A_155 = tpu.memref_slice %arg2[%dma_start3A_153, %dma_start3A_154] : memref<10000x64xf32, #tpu.memory_space<hbm>> -> memref<10000x64xf32, #tpu.memory_space<hbm>>
      tpu.enqueue_indirect_dma source(%dma_start3A_155 : memref<10000x64xf32, #tpu.memory_space<hbm>>) target(%arg9 : memref<125x64xf32, #tpu.memory_space<vmem>>) offsets(%dma_start3A_152 : memref<125xi32, #tpu.memory_space<vmem>>) semaphore(%arg14 : memref<!tpu.dma_semaphore, #tpu.memory_space<semaphore_mem>>)
      %mul3A_156 = arith.constant 4 : i32
      %mul3A_157 = arith.muli %scan3A_96, %mul3A_156 : i32
      %add3A_158 = arith.constant 3 : i32
      %add3A_159 = arith.addi %mul3A_157, %add3A_158 : i32
      %dma_wait3A_160 = arith.constant 0 : i32
      %dma_wait3A_161 = tpu.memref_slice %arg5[%add3A_159, %dma_wait3A_160] : memref<80x125xi32, #tpu.memory_space<vmem>> -> memref<1x125xi32, #tpu.memory_space<vmem>>
      %dma_wait3A_162 = tpu.memref_squeeze %dma_wait3A_161 : memref<1x125xi32, #tpu.memory_space<vmem>> -> memref<125xi32, #tpu.memory_space<vmem>>
      %dma_wait3A_163 = arith.constant 0 : i32
      %dma_wait3A_164 = arith.constant 0 : i32
      %dma_wait3A_165 = tpu.memref_slice %arg2[%dma_wait3A_163, %dma_wait3A_164] : memref<10000x64xf32, #tpu.memory_space<hbm>> -> memref<10000x64xf32, #tpu.memory_space<hbm>>
      tpu.wait_indirect_dma semaphore(%arg15 : memref<!tpu.dma_semaphore, #tpu.memory_space<semaphore_mem>>) src(%dma_wait3A_165 : memref<10000x64xf32, #tpu.memory_space<hbm>>) dst(%arg10 : memref<125x64xf32, #tpu.memory_space<vmem>>)
      "tpu.region"() ({
        %run_scoped3A_176 = tpu.sem_alloc : memref<!tpu.dma_semaphore, #tpu.memory_space<semaphore_mem>>
        %dma_start3A_177 = arith.constant 0 : i32
        %dma_start3A_178 = tpu.memref_slice %arg6[%add3A_159, %dma_start3A_177] : memref<80x125xi32, #tpu.memory_space<vmem>> -> memref<1x125xi32, #tpu.memory_space<vmem>>
        %dma_start3A_179 = tpu.memref_squeeze %dma_start3A_178 : memref<1x125xi32, #tpu.memory_space<vmem>> -> memref<125xi32, #tpu.memory_space<vmem>>
        %dma_start3A_180 = arith.constant 0 : i32
        %dma_start3A_181 = arith.constant 0 : i32
        %dma_start3A_182 = tpu.memref_slice %arg11[%dma_start3A_180, %dma_start3A_181] : memref<10000x64xf32, #tpu.memory_space<vmem_shared>> -> memref<10000x64xf32, #tpu.memory_space<vmem_shared>>
        tpu.enqueue_indirect_dma source(%arg10 : memref<125x64xf32, #tpu.memory_space<vmem>>) target(%dma_start3A_182 : memref<10000x64xf32, #tpu.memory_space<vmem_shared>>) offsets(%dma_start3A_179 : memref<125xi32, #tpu.memory_space<vmem>>) semaphore(%run_scoped3A_176 : memref<!tpu.dma_semaphore, #tpu.memory_space<semaphore_mem>>) {add = true}
        %dma_wait3A_183 = arith.constant 0 : i32
        %dma_wait3A_184 = tpu.memref_slice %arg6[%add3A_159, %dma_wait3A_183] : memref<80x125xi32, #tpu.memory_space<vmem>> -> memref<1x125xi32, #tpu.memory_space<vmem>>
        %dma_wait3A_185 = tpu.memref_squeeze %dma_wait3A_184 : memref<1x125xi32, #tpu.memory_space<vmem>> -> memref<125xi32, #tpu.memory_space<vmem>>
        %dma_wait3A_186 = arith.constant 0 : i32
        %dma_wait3A_187 = arith.constant 0 : i32
        %dma_wait3A_188 = tpu.memref_slice %arg11[%dma_wait3A_186, %dma_wait3A_187] : memref<10000x64xf32, #tpu.memory_space<vmem_shared>> -> memref<10000x64xf32, #tpu.memory_space<vmem_shared>>
        tpu.wait_indirect_dma semaphore(%run_scoped3A_176 : memref<!tpu.dma_semaphore, #tpu.memory_space<semaphore_mem>>) src(%arg10 : memref<125x64xf32, #tpu.memory_space<vmem>>) dst(%dma_wait3A_188 : memref<10000x64xf32, #tpu.memory_space<vmem_shared>>)
        tpu.yield
      }) : () -> ()
      %add3A_166 = arith.constant 4 : i32
      %add3A_167 = arith.addi %add3A_159, %add3A_166 : i32
      %min3A_168 = arith.constant 79 : i32
      %min3A_169 = arith.minsi %add3A_167, %min3A_168 : i32
      %dma_start3A_170 = arith.constant 0 : i32
      %dma_start3A_171 = tpu.memref_slice %arg5[%min3A_169, %dma_start3A_170] : memref<80x125xi32, #tpu.memory_space<vmem>> -> memref<1x125xi32, #tpu.memory_space<vmem>>
      %dma_start3A_172 = tpu.memref_squeeze %dma_start3A_171 : memref<1x125xi32, #tpu.memory_space<vmem>> -> memref<125xi32, #tpu.memory_space<vmem>>
      %dma_start3A_173 = arith.constant 0 : i32
      %dma_start3A_174 = arith.constant 0 : i32
      %dma_start3A_175 = tpu.memref_slice %arg2[%dma_start3A_173, %dma_start3A_174] : memref<10000x64xf32, #tpu.memory_space<hbm>> -> memref<10000x64xf32, #tpu.memory_space<hbm>>
      tpu.enqueue_indirect_dma source(%dma_start3A_175 : memref<10000x64xf32, #tpu.memory_space<hbm>>) target(%arg10 : memref<125x64xf32, #tpu.memory_space<vmem>>) offsets(%dma_start3A_172 : memref<125xi32, #tpu.memory_space<vmem>>) semaphore(%arg15 : memref<!tpu.dma_semaphore, #tpu.memory_space<semaphore_mem>>)
    }
    %scan3A_63 = arith.constant 20 : i32
    %dma_wait3A = arith.constant 0 : i32
    %dma_wait3A_64 = arith.constant 0 : i32
    %dma_wait3A_65 = tpu.memref_slice %arg5[%dma_wait3A, %dma_wait3A_64] : memref<80x125xi32, #tpu.memory_space<vmem>> -> memref<1x125xi32, #tpu.memory_space<vmem>>
    %dma_wait3A_66 = tpu.memref_squeeze %dma_wait3A_65 : memref<1x125xi32, #tpu.memory_space<vmem>> -> memref<125xi32, #tpu.memory_space<vmem>>
    %dma_wait3A_67 = arith.constant 0 : i32
    %dma_wait3A_68 = arith.constant 0 : i32
    %dma_wait3A_69 = tpu.memref_slice %arg2[%dma_wait3A_67, %dma_wait3A_68] : memref<10000x64xf32, #tpu.memory_space<hbm>> -> memref<10000x64xf32, #tpu.memory_space<hbm>>
    tpu.wait_indirect_dma semaphore(%arg12 : memref<!tpu.dma_semaphore, #tpu.memory_space<semaphore_mem>>) src(%dma_wait3A_69 : memref<10000x64xf32, #tpu.memory_space<hbm>>) dst(%arg7 : memref<125x64xf32, #tpu.memory_space<vmem>>)
    %dma_wait3A_70 = arith.constant 1 : i32
    %dma_wait3A_71 = arith.constant 0 : i32
    %dma_wait3A_72 = tpu.memref_slice %arg5[%dma_wait3A_70, %dma_wait3A_71] : memref<80x125xi32, #tpu.memory_space<vmem>> -> memref<1x125xi32, #tpu.memory_space<vmem>>
    %dma_wait3A_73 = tpu.memref_squeeze %dma_wait3A_72 : memref<1x125xi32, #tpu.memory_space<vmem>> -> memref<125xi32, #tpu.memory_space<vmem>>
    %dma_wait3A_74 = arith.constant 0 : i32
    %dma_wait3A_75 = arith.constant 0 : i32
    %dma_wait3A_76 = tpu.memref_slice %arg2[%dma_wait3A_74, %dma_wait3A_75] : memref<10000x64xf32, #tpu.memory_space<hbm>> -> memref<10000x64xf32, #tpu.memory_space<hbm>>
    tpu.wait_indirect_dma semaphore(%arg13 : memref<!tpu.dma_semaphore, #tpu.memory_space<semaphore_mem>>) src(%dma_wait3A_76 : memref<10000x64xf32, #tpu.memory_space<hbm>>) dst(%arg8 : memref<125x64xf32, #tpu.memory_space<vmem>>)
    %dma_wait3A_77 = arith.constant 2 : i32
    %dma_wait3A_78 = arith.constant 0 : i32
    %dma_wait3A_79 = tpu.memref_slice %arg5[%dma_wait3A_77, %dma_wait3A_78] : memref<80x125xi32, #tpu.memory_space<vmem>> -> memref<1x125xi32, #tpu.memory_space<vmem>>
    %dma_wait3A_80 = tpu.memref_squeeze %dma_wait3A_79 : memref<1x125xi32, #tpu.memory_space<vmem>> -> memref<125xi32, #tpu.memory_space<vmem>>
    %dma_wait3A_81 = arith.constant 0 : i32
    %dma_wait3A_82 = arith.constant 0 : i32
    %dma_wait3A_83 = tpu.memref_slice %arg2[%dma_wait3A_81, %dma_wait3A_82] : memref<10000x64xf32, #tpu.memory_space<hbm>> -> memref<10000x64xf32, #tpu.memory_space<hbm>>
    tpu.wait_indirect_dma semaphore(%arg14 : memref<!tpu.dma_semaphore, #tpu.memory_space<semaphore_mem>>) src(%dma_wait3A_83 : memref<10000x64xf32, #tpu.memory_space<hbm>>) dst(%arg9 : memref<125x64xf32, #tpu.memory_space<vmem>>)
    %dma_wait3A_84 = arith.constant 3 : i32
    %dma_wait3A_85 = arith.constant 0 : i32
    %dma_wait3A_86 = tpu.memref_slice %arg5[%dma_wait3A_84, %dma_wait3A_85] : memref<80x125xi32, #tpu.memory_space<vmem>> -> memref<1x125xi32, #tpu.memory_space<vmem>>
    %dma_wait3A_87 = tpu.memref_squeeze %dma_wait3A_86 : memref<1x125xi32, #tpu.memory_space<vmem>> -> memref<125xi32, #tpu.memory_space<vmem>>
    %dma_wait3A_88 = arith.constant 0 : i32
    %dma_wait3A_89 = arith.constant 0 : i32
    %dma_wait3A_90 = tpu.memref_slice %arg2[%dma_wait3A_88, %dma_wait3A_89] : memref<10000x64xf32, #tpu.memory_space<hbm>> -> memref<10000x64xf32, #tpu.memory_space<hbm>>
    tpu.wait_indirect_dma semaphore(%arg15 : memref<!tpu.dma_semaphore, #tpu.memory_space<semaphore_mem>>) src(%dma_wait3A_90 : memref<10000x64xf32, #tpu.memory_space<hbm>>) dst(%arg10 : memref<125x64xf32, #tpu.memory_space<vmem>>)
    %barrier3A_91 = arith.constant 0 : index
    tpu.barrier barrier_id(%barrier3A_91)
    %mul3A_92 = arith.constant 625 : i32
    %mul3A_93 = arith.muli %arg1, %mul3A_92 : i32
    %mul3A_94 = arith.constant 625 : i32
    %mul3A_95 = arith.muli %arg1, %mul3A_94 : i32
    "tpu.region"() ({
      %run_scoped3A_96 = tpu.sem_alloc : memref<!tpu.dma_semaphore, #tpu.memory_space<semaphore_mem>>
      %dma_start3A_97 = arith.constant 0 : i32
      %dma_start3A_98 = tpu.memref_slice %arg4[%arg0, %mul3A_95, %dma_start3A_97] : memref<2x10000x64xf32, #tpu.memory_space<hbm>> -> memref<1x625x64xf32, #tpu.memory_space<hbm>>
      %dma_start3A_99 = tpu.memref_squeeze %dma_start3A_98 : memref<1x625x64xf32, #tpu.memory_space<hbm>> -> memref<625x64xf32, #tpu.memory_space<hbm>>
      %dma_start3A_100 = arith.constant 0 : i32
      %dma_start3A_101 = tpu.memref_slice %arg11[%mul3A_93, %dma_start3A_100] : memref<10000x64xf32, #tpu.memory_space<vmem_shared>> -> memref<625x64xf32, #tpu.memory_space<vmem_shared>>
      tpu.enqueue_dma source(%dma_start3A_101 : memref<625x64xf32, #tpu.memory_space<vmem_shared>>) target(%dma_start3A_99 : memref<625x64xf32, #tpu.memory_space<hbm>>) target_semaphore(%run_scoped3A_96 : memref<!tpu.dma_semaphore, #tpu.memory_space<semaphore_mem>>)
      %dma_wait3A_102 = arith.constant 0 : i32
      %dma_wait3A_103 = tpu.memref_slice %arg4[%arg0, %mul3A_95, %dma_wait3A_102] : memref<2x10000x64xf32, #tpu.memory_space<hbm>> -> memref<1x625x64xf32, #tpu.memory_space<hbm>>
      %dma_wait3A_104 = tpu.memref_squeeze %dma_wait3A_103 : memref<1x625x64xf32, #tpu.memory_space<hbm>> -> memref<625x64xf32, #tpu.memory_space<hbm>>
      %dma_wait3A_105 = arith.constant 0 : i32
      %dma_wait3A_106 = tpu.memref_slice %arg11[%mul3A_93, %dma_wait3A_105] : memref<10000x64xf32, #tpu.memory_space<vmem_shared>> -> memref<625x64xf32, #tpu.memory_space<vmem_shared>>
      tpu.wait_dma2 semaphore(%run_scoped3A_96 : memref<!tpu.dma_semaphore, #tpu.memory_space<semaphore_mem>>) src(%dma_wait3A_106 : memref<625x64xf32, #tpu.memory_space<vmem_shared>>) dst(%dma_wait3A_104 : memref<625x64xf32, #tpu.memory_space<hbm>>)
      tpu.yield
    }) : () -> ()
    return
  }
}

#map = affine_map<(d0, d1) -> (0, 0)>
#map1 = affine_map<(d0, d1) -> (0, 0, 0)>
module attributes {stable_mosaic.version = 14 : i64} {
  func.func @_sc_segsum_body(%arg0: i32, %arg1: i32, %arg2: memref<10000x64xf32, #tpu.memory_space<hbm>>, %arg3: memref<2x2560x125xi32, #tpu.memory_space<hbm>>, %arg4: memref<2x10000x64xf32, #tpu.memory_space<hbm>>, %arg5: memref<80x125xi32, #tpu.memory_space<vmem>>, %arg6: memref<80x125xi32, #tpu.memory_space<vmem>>, %arg7: memref<125x64xf32, #tpu.memory_space<vmem>>, %arg8: memref<125x64xf32, #tpu.memory_space<vmem>>, %arg9: memref<125x64xf32, #tpu.memory_space<vmem>>, %arg10: memref<125x64xf32, #tpu.memory_space<vmem>>, %arg11: memref<10000x64xf32, #tpu.memory_space<vmem_shared>>, %arg12: memref<!tpu.dma_semaphore, #tpu.memory_space<semaphore_mem>>, %arg13: memref<!tpu.dma_semaphore, #tpu.memory_space<semaphore_mem>>, %arg14: memref<!tpu.dma_semaphore, #tpu.memory_space<semaphore_mem>>, %arg15: memref<!tpu.dma_semaphore, #tpu.memory_space<semaphore_mem>>) attributes {dimension_semantics = [#tpu.dimension_semantics<core_parallel>, #tpu.dimension_semantics<subcore_parallel>], iteration_bounds = array<i64: 2, 16>, scalar_prefetch = 0 : i64, scratch_operands = 11 : i64, tpu.core_type = #tpu.core_type<sc_vector_subcore>, window_params = [{transform_indices = #map}, {transform_indices = #map1}, {transform_indices = #map1}]} {
    %mul3A = arith.constant 16 : i32
    %mul3A_0 = arith.muli %arg0, %mul3A : i32
    %add3A = arith.addi %mul3A_0, %arg1 : i32
    %scan3A = arith.constant 0 : i32
    %scan3A_1 = arith.constant 0 : i32
    %scan3A_2 = arith.constant 125 : i32
    %scan3A_3 = arith.addi %scan3A_1, %scan3A_2 : i32
    %scan3A_4 = arith.constant 1 : i32
    scf.for %scan3A_96 = %scan3A_1 to %scan3A_3 step %scan3A_4  : i32 {
      %broadcast_in_dim3A = arith.constant 0.000000e+00 : f32
      %broadcast_in_dim3A_97 = vector.broadcast %broadcast_in_dim3A : f32 to vector<16xf32>
      %swap3A = arith.index_cast %scan3A_96 : i32 to index
      %swap3A_98 = arith.constant 0 : index
      %swap3A_99 = tpu.vector_load %arg7[%swap3A, %swap3A_98] {strides = array<i32>} : memref<125x64xf32, #tpu.memory_space<vmem>>, vector<1x16xf32>,
      %swap3A_100 = vector.shape_cast %swap3A_99 : vector<1x16xf32> to vector<16xf32>
      %swap3A_101 = vector.shape_cast %broadcast_in_dim3A_97 : vector<16xf32> to vector<1x16xf32>
      tpu.vector_store %arg7[%swap3A, %swap3A_98], %swap3A_101 {strides = array<i32>} : memref<125x64xf32, #tpu.memory_space<vmem>>, vector<1x16xf32>,
      %broadcast_in_dim3A_102 = arith.constant 0.000000e+00 : f32
      %broadcast_in_dim3A_103 = vector.broadcast %broadcast_in_dim3A_102 : f32 to vector<16xf32>
      %swap3A_104 = arith.index_cast %scan3A_96 : i32 to index
      %swap3A_105 = arith.constant 16 : index
      %swap3A_106 = tpu.vector_load %arg7[%swap3A_104, %swap3A_105] {strides = array<i32>} : memref<125x64xf32, #tpu.memory_space<vmem>>, vector<1x16xf32>,
      %swap3A_107 = vector.shape_cast %swap3A_106 : vector<1x16xf32> to vector<16xf32>
      %swap3A_108 = vector.shape_cast %broadcast_in_dim3A_103 : vector<16xf32> to vector<1x16xf32>
      tpu.vector_store %arg7[%swap3A_104, %swap3A_105], %swap3A_108 {strides = array<i32>} : memref<125x64xf32, #tpu.memory_space<vmem>>, vector<1x16xf32>,
      %broadcast_in_dim3A_109 = arith.constant 0.000000e+00 : f32
      %broadcast_in_dim3A_110 = vector.broadcast %broadcast_in_dim3A_109 : f32 to vector<16xf32>
      %swap3A_111 = arith.index_cast %scan3A_96 : i32 to index
      %swap3A_112 = arith.constant 32 : index
      %swap3A_113 = tpu.vector_load %arg7[%swap3A_111, %swap3A_112] {strides = array<i32>} : memref<125x64xf32, #tpu.memory_space<vmem>>, vector<1x16xf32>,
      %swap3A_114 = vector.shape_cast %swap3A_113 : vector<1x16xf32> to vector<16xf32>
      %swap3A_115 = vector.shape_cast %broadcast_in_dim3A_110 : vector<16xf32> to vector<1x16xf32>
      tpu.vector_store %arg7[%swap3A_111, %swap3A_112], %swap3A_115 {strides = array<i32>} : memref<125x64xf32, #tpu.memory_space<vmem>>, vector<1x16xf32>,
      %broadcast_in_dim3A_116 = arith.constant 0.000000e+00 : f32
      %broadcast_in_dim3A_117 = vector.broadcast %broadcast_in_dim3A_116 : f32 to vector<16xf32>
      %swap3A_118 = arith.index_cast %scan3A_96 : i32 to index
      %swap3A_119 = arith.constant 48 : index
      %swap3A_120 = tpu.vector_load %arg7[%swap3A_118, %swap3A_119] {strides = array<i32>} : memref<125x64xf32, #tpu.memory_space<vmem>>, vector<1x16xf32>,
      %swap3A_121 = vector.shape_cast %swap3A_120 : vector<1x16xf32> to vector<16xf32>
      %swap3A_122 = vector.shape_cast %broadcast_in_dim3A_117 : vector<16xf32> to vector<1x16xf32>
      tpu.vector_store %arg7[%swap3A_118, %swap3A_119], %swap3A_122 {strides = array<i32>} : memref<125x64xf32, #tpu.memory_space<vmem>>, vector<1x16xf32>,
    }
    %scan3A_5 = arith.constant 125 : i32
    %mul3A_6 = arith.constant 625 : i32
    %mul3A_7 = arith.muli %arg1, %mul3A_6 : i32
    %add3A_8 = arith.constant 0 : i32
    %add3A_9 = arith.addi %mul3A_7, %add3A_8 : i32
    "tpu.region"() ({
      %run_scoped3A_96 = tpu.sem_alloc : memref<!tpu.dma_semaphore, #tpu.memory_space<semaphore_mem>>
      %dma_start3A_97 = arith.constant 0 : i32
      %dma_start3A_98 = tpu.memref_slice %arg11[%add3A_9, %dma_start3A_97] : memref<10000x64xf32, #tpu.memory_space<vmem_shared>> -> memref<125x64xf32, #tpu.memory_space<vmem_shared>>
      %dma_start3A_99 = arith.constant 0 : i32
      %dma_start3A_100 = tpu.memref_slice %arg11[%add3A_9, %dma_start3A_99] : memref<10000x64xf32, #tpu.memory_space<vmem_shared>> -> memref<125x64xf32, #tpu.memory_space<vmem_shared>>
      tpu.enqueue_dma source(%arg7 : memref<125x64xf32, #tpu.memory_space<vmem>>) target(%dma_start3A_100 : memref<125x64xf32, #tpu.memory_space<vmem_shared>>) target_semaphore(%run_scoped3A_96 : memref<!tpu.dma_semaphore, #tpu.memory_space<semaphore_mem>>)
      %dma_wait3A_101 = arith.constant 0 : i32
      %dma_wait3A_102 = tpu.memref_slice %arg11[%add3A_9, %dma_wait3A_101] : memref<10000x64xf32, #tpu.memory_space<vmem_shared>> -> memref<125x64xf32, #tpu.memory_space<vmem_shared>>
      %dma_wait3A_103 = arith.constant 0 : i32
      %dma_wait3A_104 = tpu.memref_slice %arg11[%add3A_9, %dma_wait3A_103] : memref<10000x64xf32, #tpu.memory_space<vmem_shared>> -> memref<125x64xf32, #tpu.memory_space<vmem_shared>>
      tpu.wait_dma2 semaphore(%run_scoped3A_96 : memref<!tpu.dma_semaphore, #tpu.memory_space<semaphore_mem>>) src(%arg7 : memref<125x64xf32, #tpu.memory_space<vmem>>) dst(%dma_wait3A_104 : memref<125x64xf32, #tpu.memory_space<vmem_shared>>)
      tpu.yield
    }) : () -> ()
    %mul3A_10 = arith.constant 625 : i32
    %mul3A_11 = arith.muli %arg1, %mul3A_10 : i32
    %add3A_12 = arith.constant 125 : i32
    %add3A_13 = arith.addi %mul3A_11, %add3A_12 : i32
    "tpu.region"() ({
      %run_scoped3A_96 = tpu.sem_alloc : memref<!tpu.dma_semaphore, #tpu.memory_space<semaphore_mem>>
      %dma_start3A_97 = arith.constant 0 : i32
      %dma_start3A_98 = tpu.memref_slice %arg11[%add3A_13, %dma_start3A_97] : memref<10000x64xf32, #tpu.memory_space<vmem_shared>> -> memref<125x64xf32, #tpu.memory_space<vmem_shared>>
      %dma_start3A_99 = arith.constant 0 : i32
      %dma_start3A_100 = tpu.memref_slice %arg11[%add3A_13, %dma_start3A_99] : memref<10000x64xf32, #tpu.memory_space<vmem_shared>> -> memref<125x64xf32, #tpu.memory_space<vmem_shared>>
      tpu.enqueue_dma source(%arg7 : memref<125x64xf32, #tpu.memory_space<vmem>>) target(%dma_start3A_100 : memref<125x64xf32, #tpu.memory_space<vmem_shared>>) target_semaphore(%run_scoped3A_96 : memref<!tpu.dma_semaphore, #tpu.memory_space<semaphore_mem>>)
      %dma_wait3A_101 = arith.constant 0 : i32
      %dma_wait3A_102 = tpu.memref_slice %arg11[%add3A_13, %dma_wait3A_101] : memref<10000x64xf32, #tpu.memory_space<vmem_shared>> -> memref<125x64xf32, #tpu.memory_space<vmem_shared>>
      %dma_wait3A_103 = arith.constant 0 : i32
      %dma_wait3A_104 = tpu.memref_slice %arg11[%add3A_13, %dma_wait3A_103] : memref<10000x64xf32, #tpu.memory_space<vmem_shared>> -> memref<125x64xf32, #tpu.memory_space<vmem_shared>>
      tpu.wait_dma2 semaphore(%run_scoped3A_96 : memref<!tpu.dma_semaphore, #tpu.memory_space<semaphore_mem>>) src(%arg7 : memref<125x64xf32, #tpu.memory_space<vmem>>) dst(%dma_wait3A_104 : memref<125x64xf32, #tpu.memory_space<vmem_shared>>)
      tpu.yield
    }) : () -> ()
    %mul3A_14 = arith.constant 625 : i32
    %mul3A_15 = arith.muli %arg1, %mul3A_14 : i32
    %add3A_16 = arith.constant 250 : i32
    %add3A_17 = arith.addi %mul3A_15, %add3A_16 : i32
    "tpu.region"() ({
      %run_scoped3A_96 = tpu.sem_alloc : memref<!tpu.dma_semaphore, #tpu.memory_space<semaphore_mem>>
      %dma_start3A_97 = arith.constant 0 : i32
      %dma_start3A_98 = tpu.memref_slice %arg11[%add3A_17, %dma_start3A_97] : memref<10000x64xf32, #tpu.memory_space<vmem_shared>> -> memref<125x64xf32, #tpu.memory_space<vmem_shared>>
      %dma_start3A_99 = arith.constant 0 : i32
      %dma_start3A_100 = tpu.memref_slice %arg11[%add3A_17, %dma_start3A_99] : memref<10000x64xf32, #tpu.memory_space<vmem_shared>> -> memref<125x64xf32, #tpu.memory_space<vmem_shared>>
      tpu.enqueue_dma source(%arg7 : memref<125x64xf32, #tpu.memory_space<vmem>>) target(%dma_start3A_100 : memref<125x64xf32, #tpu.memory_space<vmem_shared>>) target_semaphore(%run_scoped3A_96 : memref<!tpu.dma_semaphore, #tpu.memory_space<semaphore_mem>>)
      %dma_wait3A_101 = arith.constant 0 : i32
      %dma_wait3A_102 = tpu.memref_slice %arg11[%add3A_17, %dma_wait3A_101] : memref<10000x64xf32, #tpu.memory_space<vmem_shared>> -> memref<125x64xf32, #tpu.memory_space<vmem_shared>>
      %dma_wait3A_103 = arith.constant 0 : i32
      %dma_wait3A_104 = tpu.memref_slice %arg11[%add3A_17, %dma_wait3A_103] : memref<10000x64xf32, #tpu.memory_space<vmem_shared>> -> memref<125x64xf32, #tpu.memory_space<vmem_shared>>
      tpu.wait_dma2 semaphore(%run_scoped3A_96 : memref<!tpu.dma_semaphore, #tpu.memory_space<semaphore_mem>>) src(%arg7 : memref<125x64xf32, #tpu.memory_space<vmem>>) dst(%dma_wait3A_104 : memref<125x64xf32, #tpu.memory_space<vmem_shared>>)
      tpu.yield
    }) : () -> ()
    %mul3A_18 = arith.constant 625 : i32
    %mul3A_19 = arith.muli %arg1, %mul3A_18 : i32
    %add3A_20 = arith.constant 375 : i32
    %add3A_21 = arith.addi %mul3A_19, %add3A_20 : i32
    "tpu.region"() ({
      %run_scoped3A_96 = tpu.sem_alloc : memref<!tpu.dma_semaphore, #tpu.memory_space<semaphore_mem>>
      %dma_start3A_97 = arith.constant 0 : i32
      %dma_start3A_98 = tpu.memref_slice %arg11[%add3A_21, %dma_start3A_97] : memref<10000x64xf32, #tpu.memory_space<vmem_shared>> -> memref<125x64xf32, #tpu.memory_space<vmem_shared>>
      %dma_start3A_99 = arith.constant 0 : i32
      %dma_start3A_100 = tpu.memref_slice %arg11[%add3A_21, %dma_start3A_99] : memref<10000x64xf32, #tpu.memory_space<vmem_shared>> -> memref<125x64xf32, #tpu.memory_space<vmem_shared>>
      tpu.enqueue_dma source(%arg7 : memref<125x64xf32, #tpu.memory_space<vmem>>) target(%dma_start3A_100 : memref<125x64xf32, #tpu.memory_space<vmem_shared>>) target_semaphore(%run_scoped3A_96 : memref<!tpu.dma_semaphore, #tpu.memory_space<semaphore_mem>>)
      %dma_wait3A_101 = arith.constant 0 : i32
      %dma_wait3A_102 = tpu.memref_slice %arg11[%add3A_21, %dma_wait3A_101] : memref<10000x64xf32, #tpu.memory_space<vmem_shared>> -> memref<125x64xf32, #tpu.memory_space<vmem_shared>>
      %dma_wait3A_103 = arith.constant 0 : i32
      %dma_wait3A_104 = tpu.memref_slice %arg11[%add3A_21, %dma_wait3A_103] : memref<10000x64xf32, #tpu.memory_space<vmem_shared>> -> memref<125x64xf32, #tpu.memory_space<vmem_shared>>
      tpu.wait_dma2 semaphore(%run_scoped3A_96 : memref<!tpu.dma_semaphore, #tpu.memory_space<semaphore_mem>>) src(%arg7 : memref<125x64xf32, #tpu.memory_space<vmem>>) dst(%dma_wait3A_104 : memref<125x64xf32, #tpu.memory_space<vmem_shared>>)
      tpu.yield
    }) : () -> ()
    %mul3A_22 = arith.constant 625 : i32
    %mul3A_23 = arith.muli %arg1, %mul3A_22 : i32
    %add3A_24 = arith.constant 500 : i32
    %add3A_25 = arith.addi %mul3A_23, %add3A_24 : i32
    "tpu.region"() ({
      %run_scoped3A_96 = tpu.sem_alloc : memref<!tpu.dma_semaphore, #tpu.memory_space<semaphore_mem>>
      %dma_start3A_97 = arith.constant 0 : i32
      %dma_start3A_98 = tpu.memref_slice %arg11[%add3A_25, %dma_start3A_97] : memref<10000x64xf32, #tpu.memory_space<vmem_shared>> -> memref<125x64xf32, #tpu.memory_space<vmem_shared>>
      %dma_start3A_99 = arith.constant 0 : i32
      %dma_start3A_100 = tpu.memref_slice %arg11[%add3A_25, %dma_start3A_99] : memref<10000x64xf32, #tpu.memory_space<vmem_shared>> -> memref<125x64xf32, #tpu.memory_space<vmem_shared>>
      tpu.enqueue_dma source(%arg7 : memref<125x64xf32, #tpu.memory_space<vmem>>) target(%dma_start3A_100 : memref<125x64xf32, #tpu.memory_space<vmem_shared>>) target_semaphore(%run_scoped3A_96 : memref<!tpu.dma_semaphore, #tpu.memory_space<semaphore_mem>>)
      %dma_wait3A_101 = arith.constant 0 : i32
      %dma_wait3A_102 = tpu.memref_slice %arg11[%add3A_25, %dma_wait3A_101] : memref<10000x64xf32, #tpu.memory_space<vmem_shared>> -> memref<125x64xf32, #tpu.memory_space<vmem_shared>>
      %dma_wait3A_103 = arith.constant 0 : i32
      %dma_wait3A_104 = tpu.memref_slice %arg11[%add3A_25, %dma_wait3A_103] : memref<10000x64xf32, #tpu.memory_space<vmem_shared>> -> memref<125x64xf32, #tpu.memory_space<vmem_shared>>
      tpu.wait_dma2 semaphore(%run_scoped3A_96 : memref<!tpu.dma_semaphore, #tpu.memory_space<semaphore_mem>>) src(%arg7 : memref<125x64xf32, #tpu.memory_space<vmem>>) dst(%dma_wait3A_104 : memref<125x64xf32, #tpu.memory_space<vmem_shared>>)
      tpu.yield
    }) : () -> ()
    %mul3A_26 = arith.constant 80 : i32
    %mul3A_27 = arith.muli %add3A, %mul3A_26 : i32
    %run_scoped3A = arith.constant 0 : i32
    "tpu.region"() ({
      %run_scoped3A_96 = tpu.sem_alloc : memref<!tpu.dma_semaphore, #tpu.memory_space<semaphore_mem>>
      %dma_start3A_97 = arith.constant 0 : i32
      %dma_start3A_98 = tpu.memref_slice %arg3[%run_scoped3A, %mul3A_27, %dma_start3A_97] : memref<2x2560x125xi32, #tpu.memory_space<hbm>> -> memref<1x80x125xi32, #tpu.memory_space<hbm>>
      %dma_start3A_99 = tpu.memref_squeeze %dma_start3A_98 : memref<1x80x125xi32, #tpu.memory_space<hbm>> -> memref<80x125xi32, #tpu.memory_space<hbm>>
      %dma_start3A_100 = arith.constant 0 : i32
      %dma_start3A_101 = tpu.memref_slice %arg3[%run_scoped3A, %mul3A_27, %dma_start3A_100] : memref<2x2560x125xi32, #tpu.memory_space<hbm>> -> memref<1x80x125xi32, #tpu.memory_space<hbm>>
      %dma_start3A_102 = tpu.memref_squeeze %dma_start3A_101 : memref<1x80x125xi32, #tpu.memory_space<hbm>> -> memref<80x125xi32, #tpu.memory_space<hbm>>
      tpu.enqueue_dma source(%dma_start3A_102 : memref<80x125xi32, #tpu.memory_space<hbm>>) target(%arg5 : memref<80x125xi32, #tpu.memory_space<vmem>>) target_semaphore(%run_scoped3A_96 : memref<!tpu.dma_semaphore, #tpu.memory_space<semaphore_mem>>)
      %dma_wait3A_103 = arith.constant 0 : i32
      %dma_wait3A_104 = tpu.memref_slice %arg3[%run_scoped3A, %mul3A_27, %dma_wait3A_103] : memref<2x2560x125xi32, #tpu.memory_space<hbm>> -> memref<1x80x125xi32, #tpu.memory_space<hbm>>
      %dma_wait3A_105 = tpu.memref_squeeze %dma_wait3A_104 : memref<1x80x125xi32, #tpu.memory_space<hbm>> -> memref<80x125xi32, #tpu.memory_space<hbm>>
      %dma_wait3A_106 = arith.constant 0 : i32
      %dma_wait3A_107 = tpu.memref_slice %arg3[%run_scoped3A, %mul3A_27, %dma_wait3A_106] : memref<2x2560x125xi32, #tpu.memory_space<hbm>> -> memref<1x80x125xi32, #tpu.memory_space<hbm>>
      %dma_wait3A_108 = tpu.memref_squeeze %dma_wait3A_107 : memref<1x80x125xi32, #tpu.memory_space<hbm>> -> memref<80x125xi32, #tpu.memory_space<hbm>>
      tpu.wait_dma2 semaphore(%run_scoped3A_96 : memref<!tpu.dma_semaphore, #tpu.memory_space<semaphore_mem>>) src(%dma_wait3A_108 : memref<80x125xi32, #tpu.memory_space<hbm>>) dst(%arg5 : memref<80x125xi32, #tpu.memory_space<vmem>>)
      tpu.yield
    }) : () -> ()
    %mul3A_28 = arith.constant 80 : i32
    %mul3A_29 = arith.muli %add3A, %mul3A_28 : i32
    %run_scoped3A_30 = arith.constant 1 : i32
    "tpu.region"() ({
      %run_scoped3A_96 = tpu.sem_alloc : memref<!tpu.dma_semaphore, #tpu.memory_space<semaphore_mem>>
      %dma_start3A_97 = arith.constant 0 : i32
      %dma_start3A_98 = tpu.memref_slice %arg3[%run_scoped3A_30, %mul3A_29, %dma_start3A_97] : memref<2x2560x125xi32, #tpu.memory_space<hbm>> -> memref<1x80x125xi32, #tpu.memory_space<hbm>>
      %dma_start3A_99 = tpu.memref_squeeze %dma_start3A_98 : memref<1x80x125xi32, #tpu.memory_space<hbm>> -> memref<80x125xi32, #tpu.memory_space<hbm>>
      %dma_start3A_100 = arith.constant 0 : i32
      %dma_start3A_101 = tpu.memref_slice %arg3[%run_scoped3A_30, %mul3A_29, %dma_start3A_100] : memref<2x2560x125xi32, #tpu.memory_space<hbm>> -> memref<1x80x125xi32, #tpu.memory_space<hbm>>
      %dma_start3A_102 = tpu.memref_squeeze %dma_start3A_101 : memref<1x80x125xi32, #tpu.memory_space<hbm>> -> memref<80x125xi32, #tpu.memory_space<hbm>>
      tpu.enqueue_dma source(%dma_start3A_102 : memref<80x125xi32, #tpu.memory_space<hbm>>) target(%arg6 : memref<80x125xi32, #tpu.memory_space<vmem>>) target_semaphore(%run_scoped3A_96 : memref<!tpu.dma_semaphore, #tpu.memory_space<semaphore_mem>>)
      %dma_wait3A_103 = arith.constant 0 : i32
      %dma_wait3A_104 = tpu.memref_slice %arg3[%run_scoped3A_30, %mul3A_29, %dma_wait3A_103] : memref<2x2560x125xi32, #tpu.memory_space<hbm>> -> memref<1x80x125xi32, #tpu.memory_space<hbm>>
      %dma_wait3A_105 = tpu.memref_squeeze %dma_wait3A_104 : memref<1x80x125xi32, #tpu.memory_space<hbm>> -> memref<80x125xi32, #tpu.memory_space<hbm>>
      %dma_wait3A_106 = arith.constant 0 : i32
      %dma_wait3A_107 = tpu.memref_slice %arg3[%run_scoped3A_30, %mul3A_29, %dma_wait3A_106] : memref<2x2560x125xi32, #tpu.memory_space<hbm>> -> memref<1x80x125xi32, #tpu.memory_space<hbm>>
      %dma_wait3A_108 = tpu.memref_squeeze %dma_wait3A_107 : memref<1x80x125xi32, #tpu.memory_space<hbm>> -> memref<80x125xi32, #tpu.memory_space<hbm>>
      tpu.wait_dma2 semaphore(%run_scoped3A_96 : memref<!tpu.dma_semaphore, #tpu.memory_space<semaphore_mem>>) src(%dma_wait3A_108 : memref<80x125xi32, #tpu.memory_space<hbm>>) dst(%arg6 : memref<80x125xi32, #tpu.memory_space<vmem>>)
      tpu.yield
    }) : () -> ()
    %barrier3A = arith.constant 0 : index
    tpu.barrier barrier_id(%barrier3A)
    %dma_start3A = arith.constant 0 : i32
    %dma_start3A_31 = arith.constant 0 : i32
    %dma_start3A_32 = tpu.memref_slice %arg5[%dma_start3A, %dma_start3A_31] : memref<80x125xi32, #tpu.memory_space<vmem>> -> memref<1x125xi32, #tpu.memory_space<vmem>>
    %dma_start3A_33 = tpu.memref_squeeze %dma_start3A_32 : memref<1x125xi32, #tpu.memory_space<vmem>> -> memref<125xi32, #tpu.memory_space<vmem>>
    %dma_start3A_34 = arith.constant 0 : i32
    %dma_start3A_35 = arith.constant 0 : i32
    %dma_start3A_36 = tpu.memref_slice %arg2[%dma_start3A_34, %dma_start3A_35] : memref<10000x64xf32, #tpu.memory_space<hbm>> -> memref<10000x64xf32, #tpu.memory_space<hbm>>
    tpu.enqueue_indirect_dma source(%dma_start3A_36 : memref<10000x64xf32, #tpu.memory_space<hbm>>) target(%arg7 : memref<125x64xf32, #tpu.memory_space<vmem>>) offsets(%dma_start3A_33 : memref<125xi32, #tpu.memory_space<vmem>>) semaphore(%arg12 : memref<!tpu.dma_semaphore, #tpu.memory_space<semaphore_mem>>)
    %dma_start3A_37 = arith.constant 1 : i32
    %dma_start3A_38 = arith.constant 0 : i32
    %dma_start3A_39 = tpu.memref_slice %arg5[%dma_start3A_37, %dma_start3A_38] : memref<80x125xi32, #tpu.memory_space<vmem>> -> memref<1x125xi32, #tpu.memory_space<vmem>>
    %dma_start3A_40 = tpu.memref_squeeze %dma_start3A_39 : memref<1x125xi32, #tpu.memory_space<vmem>> -> memref<125xi32, #tpu.memory_space<vmem>>
    %dma_start3A_41 = arith.constant 0 : i32
    %dma_start3A_42 = arith.constant 0 : i32
    %dma_start3A_43 = tpu.memref_slice %arg2[%dma_start3A_41, %dma_start3A_42] : memref<10000x64xf32, #tpu.memory_space<hbm>> -> memref<10000x64xf32, #tpu.memory_space<hbm>>
    tpu.enqueue_indirect_dma source(%dma_start3A_43 : memref<10000x64xf32, #tpu.memory_space<hbm>>) target(%arg8 : memref<125x64xf32, #tpu.memory_space<vmem>>) offsets(%dma_start3A_40 : memref<125xi32, #tpu.memory_space<vmem>>) semaphore(%arg13 : memref<!tpu.dma_semaphore, #tpu.memory_space<semaphore_mem>>)
    %dma_start3A_44 = arith.constant 2 : i32
    %dma_start3A_45 = arith.constant 0 : i32
    %dma_start3A_46 = tpu.memref_slice %arg5[%dma_start3A_44, %dma_start3A_45] : memref<80x125xi32, #tpu.memory_space<vmem>> -> memref<1x125xi32, #tpu.memory_space<vmem>>
    %dma_start3A_47 = tpu.memref_squeeze %dma_start3A_46 : memref<1x125xi32, #tpu.memory_space<vmem>> -> memref<125xi32, #tpu.memory_space<vmem>>
    %dma_start3A_48 = arith.constant 0 : i32
    %dma_start3A_49 = arith.constant 0 : i32
    %dma_start3A_50 = tpu.memref_slice %arg2[%dma_start3A_48, %dma_start3A_49] : memref<10000x64xf32, #tpu.memory_space<hbm>> -> memref<10000x64xf32, #tpu.memory_space<hbm>>
    tpu.enqueue_indirect_dma source(%dma_start3A_50 : memref<10000x64xf32, #tpu.memory_space<hbm>>) target(%arg9 : memref<125x64xf32, #tpu.memory_space<vmem>>) offsets(%dma_start3A_47 : memref<125xi32, #tpu.memory_space<vmem>>) semaphore(%arg14 : memref<!tpu.dma_semaphore, #tpu.memory_space<semaphore_mem>>)
    %dma_start3A_51 = arith.constant 3 : i32
    %dma_start3A_52 = arith.constant 0 : i32
    %dma_start3A_53 = tpu.memref_slice %arg5[%dma_start3A_51, %dma_start3A_52] : memref<80x125xi32, #tpu.memory_space<vmem>> -> memref<1x125xi32, #tpu.memory_space<vmem>>
    %dma_start3A_54 = tpu.memref_squeeze %dma_start3A_53 : memref<1x125xi32, #tpu.memory_space<vmem>> -> memref<125xi32, #tpu.memory_space<vmem>>
    %dma_start3A_55 = arith.constant 0 : i32
    %dma_start3A_56 = arith.constant 0 : i32
    %dma_start3A_57 = tpu.memref_slice %arg2[%dma_start3A_55, %dma_start3A_56] : memref<10000x64xf32, #tpu.memory_space<hbm>> -> memref<10000x64xf32, #tpu.memory_space<hbm>>
    tpu.enqueue_indirect_dma source(%dma_start3A_57 : memref<10000x64xf32, #tpu.memory_space<hbm>>) target(%arg10 : memref<125x64xf32, #tpu.memory_space<vmem>>) offsets(%dma_start3A_54 : memref<125xi32, #tpu.memory_space<vmem>>) semaphore(%arg15 : memref<!tpu.dma_semaphore, #tpu.memory_space<semaphore_mem>>)
    %scan3A_58 = arith.constant 0 : i32
    %scan3A_59 = arith.constant 0 : i32
    %scan3A_60 = arith.constant 20 : i32
    %scan3A_61 = arith.addi %scan3A_59, %scan3A_60 : i32
    %scan3A_62 = arith.constant 1 : i32
    scf.for %scan3A_96 = %scan3A_59 to %scan3A_61 step %scan3A_62  : i32 {
      %mul3A_97 = arith.constant 4 : i32
      %mul3A_98 = arith.muli %scan3A_96, %mul3A_97 : i32
      %add3A_99 = arith.constant 0 : i32
      %add3A_100 = arith.addi %mul3A_98, %add3A_99 : i32
      %dma_wait3A_101 = arith.constant 0 : i32
      %dma_wait3A_102 = tpu.memref_slice %arg5[%add3A_100, %dma_wait3A_101] : memref<80x125xi32, #tpu.memory_space<vmem>> -> memref<1x125xi32, #tpu.memory_space<vmem>>
      %dma_wait3A_103 = tpu.memref_squeeze %dma_wait3A_102 : memref<1x125xi32, #tpu.memory_space<vmem>> -> memref<125xi32, #tpu.memory_space<vmem>>
      %dma_wait3A_104 = arith.constant 0 : i32
      %dma_wait3A_105 = arith.constant 0 : i32
      %dma_wait3A_106 = tpu.memref_slice %arg2[%dma_wait3A_104, %dma_wait3A_105] : memref<10000x64xf32, #tpu.memory_space<hbm>> -> memref<10000x64xf32, #tpu.memory_space<hbm>>
      tpu.wait_indirect_dma semaphore(%arg12 : memref<!tpu.dma_semaphore, #tpu.memory_space<semaphore_mem>>) src(%dma_wait3A_106 : memref<10000x64xf32, #tpu.memory_space<hbm>>) dst(%arg7 : memref<125x64xf32, #tpu.memory_space<vmem>>)
      "tpu.region"() ({
        %run_scoped3A_176 = tpu.sem_alloc : memref<!tpu.dma_semaphore, #tpu.memory_space<semaphore_mem>>
        %dma_start3A_177 = arith.constant 0 : i32
        %dma_start3A_178 = tpu.memref_slice %arg6[%add3A_100, %dma_start3A_177] : memref<80x125xi32, #tpu.memory_space<vmem>> -> memref<1x125xi32, #tpu.memory_space<vmem>>
        %dma_start3A_179 = tpu.memref_squeeze %dma_start3A_178 : memref<1x125xi32, #tpu.memory_space<vmem>> -> memref<125xi32, #tpu.memory_space<vmem>>
        %dma_start3A_180 = arith.constant 0 : i32
        %dma_start3A_181 = arith.constant 0 : i32
        %dma_start3A_182 = tpu.memref_slice %arg11[%dma_start3A_180, %dma_start3A_181] : memref<10000x64xf32, #tpu.memory_space<vmem_shared>> -> memref<10000x64xf32, #tpu.memory_space<vmem_shared>>
        tpu.enqueue_indirect_dma source(%arg7 : memref<125x64xf32, #tpu.memory_space<vmem>>) target(%dma_start3A_182 : memref<10000x64xf32, #tpu.memory_space<vmem_shared>>) offsets(%dma_start3A_179 : memref<125xi32, #tpu.memory_space<vmem>>) semaphore(%run_scoped3A_176 : memref<!tpu.dma_semaphore, #tpu.memory_space<semaphore_mem>>) {add = true}
        %dma_wait3A_183 = arith.constant 0 : i32
        %dma_wait3A_184 = tpu.memref_slice %arg6[%add3A_100, %dma_wait3A_183] : memref<80x125xi32, #tpu.memory_space<vmem>> -> memref<1x125xi32, #tpu.memory_space<vmem>>
        %dma_wait3A_185 = tpu.memref_squeeze %dma_wait3A_184 : memref<1x125xi32, #tpu.memory_space<vmem>> -> memref<125xi32, #tpu.memory_space<vmem>>
        %dma_wait3A_186 = arith.constant 0 : i32
        %dma_wait3A_187 = arith.constant 0 : i32
        %dma_wait3A_188 = tpu.memref_slice %arg11[%dma_wait3A_186, %dma_wait3A_187] : memref<10000x64xf32, #tpu.memory_space<vmem_shared>> -> memref<10000x64xf32, #tpu.memory_space<vmem_shared>>
        tpu.wait_indirect_dma semaphore(%run_scoped3A_176 : memref<!tpu.dma_semaphore, #tpu.memory_space<semaphore_mem>>) src(%arg7 : memref<125x64xf32, #tpu.memory_space<vmem>>) dst(%dma_wait3A_188 : memref<10000x64xf32, #tpu.memory_space<vmem_shared>>)
        tpu.yield
      }) : () -> ()
      %add3A_107 = arith.constant 4 : i32
      %add3A_108 = arith.addi %add3A_100, %add3A_107 : i32
      %min3A = arith.constant 79 : i32
      %min3A_109 = arith.minsi %add3A_108, %min3A : i32
      %dma_start3A_110 = arith.constant 0 : i32
      %dma_start3A_111 = tpu.memref_slice %arg5[%min3A_109, %dma_start3A_110] : memref<80x125xi32, #tpu.memory_space<vmem>> -> memref<1x125xi32, #tpu.memory_space<vmem>>
      %dma_start3A_112 = tpu.memref_squeeze %dma_start3A_111 : memref<1x125xi32, #tpu.memory_space<vmem>> -> memref<125xi32, #tpu.memory_space<vmem>>
      %dma_start3A_113 = arith.constant 0 : i32
      %dma_start3A_114 = arith.constant 0 : i32
      %dma_start3A_115 = tpu.memref_slice %arg2[%dma_start3A_113, %dma_start3A_114] : memref<10000x64xf32, #tpu.memory_space<hbm>> -> memref<10000x64xf32, #tpu.memory_space<hbm>>
      tpu.enqueue_indirect_dma source(%dma_start3A_115 : memref<10000x64xf32, #tpu.memory_space<hbm>>) target(%arg7 : memref<125x64xf32, #tpu.memory_space<vmem>>) offsets(%dma_start3A_112 : memref<125xi32, #tpu.memory_space<vmem>>) semaphore(%arg12 : memref<!tpu.dma_semaphore, #tpu.memory_space<semaphore_mem>>)
      %mul3A_116 = arith.constant 4 : i32
      %mul3A_117 = arith.muli %scan3A_96, %mul3A_116 : i32
      %add3A_118 = arith.constant 1 : i32
      %add3A_119 = arith.addi %mul3A_117, %add3A_118 : i32
      %dma_wait3A_120 = arith.constant 0 : i32
      %dma_wait3A_121 = tpu.memref_slice %arg5[%add3A_119, %dma_wait3A_120] : memref<80x125xi32, #tpu.memory_space<vmem>> -> memref<1x125xi32, #tpu.memory_space<vmem>>
      %dma_wait3A_122 = tpu.memref_squeeze %dma_wait3A_121 : memref<1x125xi32, #tpu.memory_space<vmem>> -> memref<125xi32, #tpu.memory_space<vmem>>
      %dma_wait3A_123 = arith.constant 0 : i32
      %dma_wait3A_124 = arith.constant 0 : i32
      %dma_wait3A_125 = tpu.memref_slice %arg2[%dma_wait3A_123, %dma_wait3A_124] : memref<10000x64xf32, #tpu.memory_space<hbm>> -> memref<10000x64xf32, #tpu.memory_space<hbm>>
      tpu.wait_indirect_dma semaphore(%arg13 : memref<!tpu.dma_semaphore, #tpu.memory_space<semaphore_mem>>) src(%dma_wait3A_125 : memref<10000x64xf32, #tpu.memory_space<hbm>>) dst(%arg8 : memref<125x64xf32, #tpu.memory_space<vmem>>)
      "tpu.region"() ({
        %run_scoped3A_176 = tpu.sem_alloc : memref<!tpu.dma_semaphore, #tpu.memory_space<semaphore_mem>>
        %dma_start3A_177 = arith.constant 0 : i32
        %dma_start3A_178 = tpu.memref_slice %arg6[%add3A_119, %dma_start3A_177] : memref<80x125xi32, #tpu.memory_space<vmem>> -> memref<1x125xi32, #tpu.memory_space<vmem>>
        %dma_start3A_179 = tpu.memref_squeeze %dma_start3A_178 : memref<1x125xi32, #tpu.memory_space<vmem>> -> memref<125xi32, #tpu.memory_space<vmem>>
        %dma_start3A_180 = arith.constant 0 : i32
        %dma_start3A_181 = arith.constant 0 : i32
        %dma_start3A_182 = tpu.memref_slice %arg11[%dma_start3A_180, %dma_start3A_181] : memref<10000x64xf32, #tpu.memory_space<vmem_shared>> -> memref<10000x64xf32, #tpu.memory_space<vmem_shared>>
        tpu.enqueue_indirect_dma source(%arg8 : memref<125x64xf32, #tpu.memory_space<vmem>>) target(%dma_start3A_182 : memref<10000x64xf32, #tpu.memory_space<vmem_shared>>) offsets(%dma_start3A_179 : memref<125xi32, #tpu.memory_space<vmem>>) semaphore(%run_scoped3A_176 : memref<!tpu.dma_semaphore, #tpu.memory_space<semaphore_mem>>) {add = true}
        %dma_wait3A_183 = arith.constant 0 : i32
        %dma_wait3A_184 = tpu.memref_slice %arg6[%add3A_119, %dma_wait3A_183] : memref<80x125xi32, #tpu.memory_space<vmem>> -> memref<1x125xi32, #tpu.memory_space<vmem>>
        %dma_wait3A_185 = tpu.memref_squeeze %dma_wait3A_184 : memref<1x125xi32, #tpu.memory_space<vmem>> -> memref<125xi32, #tpu.memory_space<vmem>>
        %dma_wait3A_186 = arith.constant 0 : i32
        %dma_wait3A_187 = arith.constant 0 : i32
        %dma_wait3A_188 = tpu.memref_slice %arg11[%dma_wait3A_186, %dma_wait3A_187] : memref<10000x64xf32, #tpu.memory_space<vmem_shared>> -> memref<10000x64xf32, #tpu.memory_space<vmem_shared>>
        tpu.wait_indirect_dma semaphore(%run_scoped3A_176 : memref<!tpu.dma_semaphore, #tpu.memory_space<semaphore_mem>>) src(%arg8 : memref<125x64xf32, #tpu.memory_space<vmem>>) dst(%dma_wait3A_188 : memref<10000x64xf32, #tpu.memory_space<vmem_shared>>)
        tpu.yield
      }) : () -> ()
      %add3A_126 = arith.constant 4 : i32
      %add3A_127 = arith.addi %add3A_119, %add3A_126 : i32
      %min3A_128 = arith.constant 79 : i32
      %min3A_129 = arith.minsi %add3A_127, %min3A_128 : i32
      %dma_start3A_130 = arith.constant 0 : i32
      %dma_start3A_131 = tpu.memref_slice %arg5[%min3A_129, %dma_start3A_130] : memref<80x125xi32, #tpu.memory_space<vmem>> -> memref<1x125xi32, #tpu.memory_space<vmem>>
      %dma_start3A_132 = tpu.memref_squeeze %dma_start3A_131 : memref<1x125xi32, #tpu.memory_space<vmem>> -> memref<125xi32, #tpu.memory_space<vmem>>
      %dma_start3A_133 = arith.constant 0 : i32
      %dma_start3A_134 = arith.constant 0 : i32
      %dma_start3A_135 = tpu.memref_slice %arg2[%dma_start3A_133, %dma_start3A_134] : memref<10000x64xf32, #tpu.memory_space<hbm>> -> memref<10000x64xf32, #tpu.memory_space<hbm>>
      tpu.enqueue_indirect_dma source(%dma_start3A_135 : memref<10000x64xf32, #tpu.memory_space<hbm>>) target(%arg8 : memref<125x64xf32, #tpu.memory_space<vmem>>) offsets(%dma_start3A_132 : memref<125xi32, #tpu.memory_space<vmem>>) semaphore(%arg13 : memref<!tpu.dma_semaphore, #tpu.memory_space<semaphore_mem>>)
      %mul3A_136 = arith.constant 4 : i32
      %mul3A_137 = arith.muli %scan3A_96, %mul3A_136 : i32
      %add3A_138 = arith.constant 2 : i32
      %add3A_139 = arith.addi %mul3A_137, %add3A_138 : i32
      %dma_wait3A_140 = arith.constant 0 : i32
      %dma_wait3A_141 = tpu.memref_slice %arg5[%add3A_139, %dma_wait3A_140] : memref<80x125xi32, #tpu.memory_space<vmem>> -> memref<1x125xi32, #tpu.memory_space<vmem>>
      %dma_wait3A_142 = tpu.memref_squeeze %dma_wait3A_141 : memref<1x125xi32, #tpu.memory_space<vmem>> -> memref<125xi32, #tpu.memory_space<vmem>>
      %dma_wait3A_143 = arith.constant 0 : i32
      %dma_wait3A_144 = arith.constant 0 : i32
      %dma_wait3A_145 = tpu.memref_slice %arg2[%dma_wait3A_143, %dma_wait3A_144] : memref<10000x64xf32, #tpu.memory_space<hbm>> -> memref<10000x64xf32, #tpu.memory_space<hbm>>
      tpu.wait_indirect_dma semaphore(%arg14 : memref<!tpu.dma_semaphore, #tpu.memory_space<semaphore_mem>>) src(%dma_wait3A_145 : memref<10000x64xf32, #tpu.memory_space<hbm>>) dst(%arg9 : memref<125x64xf32, #tpu.memory_space<vmem>>)
      "tpu.region"() ({
        %run_scoped3A_176 = tpu.sem_alloc : memref<!tpu.dma_semaphore, #tpu.memory_space<semaphore_mem>>
        %dma_start3A_177 = arith.constant 0 : i32
        %dma_start3A_178 = tpu.memref_slice %arg6[%add3A_139, %dma_start3A_177] : memref<80x125xi32, #tpu.memory_space<vmem>> -> memref<1x125xi32, #tpu.memory_space<vmem>>
        %dma_start3A_179 = tpu.memref_squeeze %dma_start3A_178 : memref<1x125xi32, #tpu.memory_space<vmem>> -> memref<125xi32, #tpu.memory_space<vmem>>
        %dma_start3A_180 = arith.constant 0 : i32
        %dma_start3A_181 = arith.constant 0 : i32
        %dma_start3A_182 = tpu.memref_slice %arg11[%dma_start3A_180, %dma_start3A_181] : memref<10000x64xf32, #tpu.memory_space<vmem_shared>> -> memref<10000x64xf32, #tpu.memory_space<vmem_shared>>
        tpu.enqueue_indirect_dma source(%arg9 : memref<125x64xf32, #tpu.memory_space<vmem>>) target(%dma_start3A_182 : memref<10000x64xf32, #tpu.memory_space<vmem_shared>>) offsets(%dma_start3A_179 : memref<125xi32, #tpu.memory_space<vmem>>) semaphore(%run_scoped3A_176 : memref<!tpu.dma_semaphore, #tpu.memory_space<semaphore_mem>>) {add = true}
        %dma_wait3A_183 = arith.constant 0 : i32
        %dma_wait3A_184 = tpu.memref_slice %arg6[%add3A_139, %dma_wait3A_183] : memref<80x125xi32, #tpu.memory_space<vmem>> -> memref<1x125xi32, #tpu.memory_space<vmem>>
        %dma_wait3A_185 = tpu.memref_squeeze %dma_wait3A_184 : memref<1x125xi32, #tpu.memory_space<vmem>> -> memref<125xi32, #tpu.memory_space<vmem>>
        %dma_wait3A_186 = arith.constant 0 : i32
        %dma_wait3A_187 = arith.constant 0 : i32
        %dma_wait3A_188 = tpu.memref_slice %arg11[%dma_wait3A_186, %dma_wait3A_187] : memref<10000x64xf32, #tpu.memory_space<vmem_shared>> -> memref<10000x64xf32, #tpu.memory_space<vmem_shared>>
        tpu.wait_indirect_dma semaphore(%run_scoped3A_176 : memref<!tpu.dma_semaphore, #tpu.memory_space<semaphore_mem>>) src(%arg9 : memref<125x64xf32, #tpu.memory_space<vmem>>) dst(%dma_wait3A_188 : memref<10000x64xf32, #tpu.memory_space<vmem_shared>>)
        tpu.yield
      }) : () -> ()
      %add3A_146 = arith.constant 4 : i32
      %add3A_147 = arith.addi %add3A_139, %add3A_146 : i32
      %min3A_148 = arith.constant 79 : i32
      %min3A_149 = arith.minsi %add3A_147, %min3A_148 : i32
      %dma_start3A_150 = arith.constant 0 : i32
      %dma_start3A_151 = tpu.memref_slice %arg5[%min3A_149, %dma_start3A_150] : memref<80x125xi32, #tpu.memory_space<vmem>> -> memref<1x125xi32, #tpu.memory_space<vmem>>
      %dma_start3A_152 = tpu.memref_squeeze %dma_start3A_151 : memref<1x125xi32, #tpu.memory_space<vmem>> -> memref<125xi32, #tpu.memory_space<vmem>>
      %dma_start3A_153 = arith.constant 0 : i32
      %dma_start3A_154 = arith.constant 0 : i32
      %dma_start3A_155 = tpu.memref_slice %arg2[%dma_start3A_153, %dma_start3A_154] : memref<10000x64xf32, #tpu.memory_space<hbm>> -> memref<10000x64xf32, #tpu.memory_space<hbm>>
      tpu.enqueue_indirect_dma source(%dma_start3A_155 : memref<10000x64xf32, #tpu.memory_space<hbm>>) target(%arg9 : memref<125x64xf32, #tpu.memory_space<vmem>>) offsets(%dma_start3A_152 : memref<125xi32, #tpu.memory_space<vmem>>) semaphore(%arg14 : memref<!tpu.dma_semaphore, #tpu.memory_space<semaphore_mem>>)
      %mul3A_156 = arith.constant 4 : i32
      %mul3A_157 = arith.muli %scan3A_96, %mul3A_156 : i32
      %add3A_158 = arith.constant 3 : i32
      %add3A_159 = arith.addi %mul3A_157, %add3A_158 : i32
      %dma_wait3A_160 = arith.constant 0 : i32
      %dma_wait3A_161 = tpu.memref_slice %arg5[%add3A_159, %dma_wait3A_160] : memref<80x125xi32, #tpu.memory_space<vmem>> -> memref<1x125xi32, #tpu.memory_space<vmem>>
      %dma_wait3A_162 = tpu.memref_squeeze %dma_wait3A_161 : memref<1x125xi32, #tpu.memory_space<vmem>> -> memref<125xi32, #tpu.memory_space<vmem>>
      %dma_wait3A_163 = arith.constant 0 : i32
      %dma_wait3A_164 = arith.constant 0 : i32
      %dma_wait3A_165 = tpu.memref_slice %arg2[%dma_wait3A_163, %dma_wait3A_164] : memref<10000x64xf32, #tpu.memory_space<hbm>> -> memref<10000x64xf32, #tpu.memory_space<hbm>>
      tpu.wait_indirect_dma semaphore(%arg15 : memref<!tpu.dma_semaphore, #tpu.memory_space<semaphore_mem>>) src(%dma_wait3A_165 : memref<10000x64xf32, #tpu.memory_space<hbm>>) dst(%arg10 : memref<125x64xf32, #tpu.memory_space<vmem>>)
      "tpu.region"() ({
        %run_scoped3A_176 = tpu.sem_alloc : memref<!tpu.dma_semaphore, #tpu.memory_space<semaphore_mem>>
        %dma_start3A_177 = arith.constant 0 : i32
        %dma_start3A_178 = tpu.memref_slice %arg6[%add3A_159, %dma_start3A_177] : memref<80x125xi32, #tpu.memory_space<vmem>> -> memref<1x125xi32, #tpu.memory_space<vmem>>
        %dma_start3A_179 = tpu.memref_squeeze %dma_start3A_178 : memref<1x125xi32, #tpu.memory_space<vmem>> -> memref<125xi32, #tpu.memory_space<vmem>>
        %dma_start3A_180 = arith.constant 0 : i32
        %dma_start3A_181 = arith.constant 0 : i32
        %dma_start3A_182 = tpu.memref_slice %arg11[%dma_start3A_180, %dma_start3A_181] : memref<10000x64xf32, #tpu.memory_space<vmem_shared>> -> memref<10000x64xf32, #tpu.memory_space<vmem_shared>>
        tpu.enqueue_indirect_dma source(%arg10 : memref<125x64xf32, #tpu.memory_space<vmem>>) target(%dma_start3A_182 : memref<10000x64xf32, #tpu.memory_space<vmem_shared>>) offsets(%dma_start3A_179 : memref<125xi32, #tpu.memory_space<vmem>>) semaphore(%run_scoped3A_176 : memref<!tpu.dma_semaphore, #tpu.memory_space<semaphore_mem>>) {add = true}
        %dma_wait3A_183 = arith.constant 0 : i32
        %dma_wait3A_184 = tpu.memref_slice %arg6[%add3A_159, %dma_wait3A_183] : memref<80x125xi32, #tpu.memory_space<vmem>> -> memref<1x125xi32, #tpu.memory_space<vmem>>
        %dma_wait3A_185 = tpu.memref_squeeze %dma_wait3A_184 : memref<1x125xi32, #tpu.memory_space<vmem>> -> memref<125xi32, #tpu.memory_space<vmem>>
        %dma_wait3A_186 = arith.constant 0 : i32
        %dma_wait3A_187 = arith.constant 0 : i32
        %dma_wait3A_188 = tpu.memref_slice %arg11[%dma_wait3A_186, %dma_wait3A_187] : memref<10000x64xf32, #tpu.memory_space<vmem_shared>> -> memref<10000x64xf32, #tpu.memory_space<vmem_shared>>
        tpu.wait_indirect_dma semaphore(%run_scoped3A_176 : memref<!tpu.dma_semaphore, #tpu.memory_space<semaphore_mem>>) src(%arg10 : memref<125x64xf32, #tpu.memory_space<vmem>>) dst(%dma_wait3A_188 : memref<10000x64xf32, #tpu.memory_space<vmem_shared>>)
        tpu.yield
      }) : () -> ()
      %add3A_166 = arith.constant 4 : i32
      %add3A_167 = arith.addi %add3A_159, %add3A_166 : i32
      %min3A_168 = arith.constant 79 : i32
      %min3A_169 = arith.minsi %add3A_167, %min3A_168 : i32
      %dma_start3A_170 = arith.constant 0 : i32
      %dma_start3A_171 = tpu.memref_slice %arg5[%min3A_169, %dma_start3A_170] : memref<80x125xi32, #tpu.memory_space<vmem>> -> memref<1x125xi32, #tpu.memory_space<vmem>>
      %dma_start3A_172 = tpu.memref_squeeze %dma_start3A_171 : memref<1x125xi32, #tpu.memory_space<vmem>> -> memref<125xi32, #tpu.memory_space<vmem>>
      %dma_start3A_173 = arith.constant 0 : i32
      %dma_start3A_174 = arith.constant 0 : i32
      %dma_start3A_175 = tpu.memref_slice %arg2[%dma_start3A_173, %dma_start3A_174] : memref<10000x64xf32, #tpu.memory_space<hbm>> -> memref<10000x64xf32, #tpu.memory_space<hbm>>
      tpu.enqueue_indirect_dma source(%dma_start3A_175 : memref<10000x64xf32, #tpu.memory_space<hbm>>) target(%arg10 : memref<125x64xf32, #tpu.memory_space<vmem>>) offsets(%dma_start3A_172 : memref<125xi32, #tpu.memory_space<vmem>>) semaphore(%arg15 : memref<!tpu.dma_semaphore, #tpu.memory_space<semaphore_mem>>)
    }
    %scan3A_63 = arith.constant 20 : i32
    %dma_wait3A = arith.constant 0 : i32
    %dma_wait3A_64 = arith.constant 0 : i32
    %dma_wait3A_65 = tpu.memref_slice %arg5[%dma_wait3A, %dma_wait3A_64] : memref<80x125xi32, #tpu.memory_space<vmem>> -> memref<1x125xi32, #tpu.memory_space<vmem>>
    %dma_wait3A_66 = tpu.memref_squeeze %dma_wait3A_65 : memref<1x125xi32, #tpu.memory_space<vmem>> -> memref<125xi32, #tpu.memory_space<vmem>>
    %dma_wait3A_67 = arith.constant 0 : i32
    %dma_wait3A_68 = arith.constant 0 : i32
    %dma_wait3A_69 = tpu.memref_slice %arg2[%dma_wait3A_67, %dma_wait3A_68] : memref<10000x64xf32, #tpu.memory_space<hbm>> -> memref<10000x64xf32, #tpu.memory_space<hbm>>
    tpu.wait_indirect_dma semaphore(%arg12 : memref<!tpu.dma_semaphore, #tpu.memory_space<semaphore_mem>>) src(%dma_wait3A_69 : memref<10000x64xf32, #tpu.memory_space<hbm>>) dst(%arg7 : memref<125x64xf32, #tpu.memory_space<vmem>>)
    %dma_wait3A_70 = arith.constant 1 : i32
    %dma_wait3A_71 = arith.constant 0 : i32
    %dma_wait3A_72 = tpu.memref_slice %arg5[%dma_wait3A_70, %dma_wait3A_71] : memref<80x125xi32, #tpu.memory_space<vmem>> -> memref<1x125xi32, #tpu.memory_space<vmem>>
    %dma_wait3A_73 = tpu.memref_squeeze %dma_wait3A_72 : memref<1x125xi32, #tpu.memory_space<vmem>> -> memref<125xi32, #tpu.memory_space<vmem>>
    %dma_wait3A_74 = arith.constant 0 : i32
    %dma_wait3A_75 = arith.constant 0 : i32
    %dma_wait3A_76 = tpu.memref_slice %arg2[%dma_wait3A_74, %dma_wait3A_75] : memref<10000x64xf32, #tpu.memory_space<hbm>> -> memref<10000x64xf32, #tpu.memory_space<hbm>>
    tpu.wait_indirect_dma semaphore(%arg13 : memref<!tpu.dma_semaphore, #tpu.memory_space<semaphore_mem>>) src(%dma_wait3A_76 : memref<10000x64xf32, #tpu.memory_space<hbm>>) dst(%arg8 : memref<125x64xf32, #tpu.memory_space<vmem>>)
    %dma_wait3A_77 = arith.constant 2 : i32
    %dma_wait3A_78 = arith.constant 0 : i32
    %dma_wait3A_79 = tpu.memref_slice %arg5[%dma_wait3A_77, %dma_wait3A_78] : memref<80x125xi32, #tpu.memory_space<vmem>> -> memref<1x125xi32, #tpu.memory_space<vmem>>
    %dma_wait3A_80 = tpu.memref_squeeze %dma_wait3A_79 : memref<1x125xi32, #tpu.memory_space<vmem>> -> memref<125xi32, #tpu.memory_space<vmem>>
    %dma_wait3A_81 = arith.constant 0 : i32
    %dma_wait3A_82 = arith.constant 0 : i32
    %dma_wait3A_83 = tpu.memref_slice %arg2[%dma_wait3A_81, %dma_wait3A_82] : memref<10000x64xf32, #tpu.memory_space<hbm>> -> memref<10000x64xf32, #tpu.memory_space<hbm>>
    tpu.wait_indirect_dma semaphore(%arg14 : memref<!tpu.dma_semaphore, #tpu.memory_space<semaphore_mem>>) src(%dma_wait3A_83 : memref<10000x64xf32, #tpu.memory_space<hbm>>) dst(%arg9 : memref<125x64xf32, #tpu.memory_space<vmem>>)
    %dma_wait3A_84 = arith.constant 3 : i32
    %dma_wait3A_85 = arith.constant 0 : i32
    %dma_wait3A_86 = tpu.memref_slice %arg5[%dma_wait3A_84, %dma_wait3A_85] : memref<80x125xi32, #tpu.memory_space<vmem>> -> memref<1x125xi32, #tpu.memory_space<vmem>>
    %dma_wait3A_87 = tpu.memref_squeeze %dma_wait3A_86 : memref<1x125xi32, #tpu.memory_space<vmem>> -> memref<125xi32, #tpu.memory_space<vmem>>
    %dma_wait3A_88 = arith.constant 0 : i32
    %dma_wait3A_89 = arith.constant 0 : i32
    %dma_wait3A_90 = tpu.memref_slice %arg2[%dma_wait3A_88, %dma_wait3A_89] : memref<10000x64xf32, #tpu.memory_space<hbm>> -> memref<10000x64xf32, #tpu.memory_space<hbm>>
    tpu.wait_indirect_dma semaphore(%arg15 : memref<!tpu.dma_semaphore, #tpu.memory_space<semaphore_mem>>) src(%dma_wait3A_90 : memref<10000x64xf32, #tpu.memory_space<hbm>>) dst(%arg10 : memref<125x64xf32, #tpu.memory_space<vmem>>)
    %barrier3A_91 = arith.constant 0 : index
    tpu.barrier barrier_id(%barrier3A_91)
    %mul3A_92 = arith.constant 625 : i32
    %mul3A_93 = arith.muli %arg1, %mul3A_92 : i32
    %mul3A_94 = arith.constant 625 : i32
    %mul3A_95 = arith.muli %arg1, %mul3A_94 : i32
    "tpu.region"() ({
      %run_scoped3A_96 = tpu.sem_alloc : memref<!tpu.dma_semaphore, #tpu.memory_space<semaphore_mem>>
      %dma_start3A_97 = arith.constant 0 : i32
      %dma_start3A_98 = tpu.memref_slice %arg4[%arg0, %mul3A_95, %dma_start3A_97] : memref<2x10000x64xf32, #tpu.memory_space<hbm>> -> memref<1x625x64xf32, #tpu.memory_space<hbm>>
      %dma_start3A_99 = tpu.memref_squeeze %dma_start3A_98 : memref<1x625x64xf32, #tpu.memory_space<hbm>> -> memref<625x64xf32, #tpu.memory_space<hbm>>
      %dma_start3A_100 = arith.constant 0 : i32
      %dma_start3A_101 = tpu.memref_slice %arg11[%mul3A_93, %dma_start3A_100] : memref<10000x64xf32, #tpu.memory_space<vmem_shared>> -> memref<625x64xf32, #tpu.memory_space<vmem_shared>>
      tpu.enqueue_dma source(%dma_start3A_101 : memref<625x64xf32, #tpu.memory_space<vmem_shared>>) target(%dma_start3A_99 : memref<625x64xf32, #tpu.memory_space<hbm>>) target_semaphore(%run_scoped3A_96 : memref<!tpu.dma_semaphore, #tpu.memory_space<semaphore_mem>>)
      %dma_wait3A_102 = arith.constant 0 : i32
      %dma_wait3A_103 = tpu.memref_slice %arg4[%arg0, %mul3A_95, %dma_wait3A_102] : memref<2x10000x64xf32, #tpu.memory_space<hbm>> -> memref<1x625x64xf32, #tpu.memory_space<hbm>>
      %dma_wait3A_104 = tpu.memref_squeeze %dma_wait3A_103 : memref<1x625x64xf32, #tpu.memory_space<hbm>> -> memref<625x64xf32, #tpu.memory_space<hbm>>
      %dma_wait3A_105 = arith.constant 0 : i32
      %dma_wait3A_106 = tpu.memref_slice %arg11[%mul3A_93, %dma_wait3A_105] : memref<10000x64xf32, #tpu.memory_space<vmem_shared>> -> memref<625x64xf32, #tpu.memory_space<vmem_shared>>
      tpu.wait_dma2 semaphore(%run_scoped3A_96 : memref<!tpu.dma_semaphore, #tpu.memory_space<semaphore_mem>>) src(%dma_wait3A_106 : memref<625x64xf32, #tpu.memory_space<vmem_shared>>) dst(%dma_wait3A_104 : memref<625x64xf32, #tpu.memory_space<hbm>>)
      tpu.yield
    }) : () -> ()
    return
  }
}

module attributes {stable_mosaic.version = 14 : i64} {
  func.func @_stage_a_body(%arg0: i32, %arg1: memref<1000x128xf32, #tpu.memory_space<vmem>>, %arg2: memref<1000x128xf32, #tpu.memory_space<vmem>>, %arg3: memref<128x64xf32, #tpu.memory_space<vmem>>, %arg4: memref<1000x128xf32, #tpu.memory_space<vmem>>) attributes {dimension_semantics = [#tpu.dimension_semantics<arbitrary>], iteration_bounds = array<i64: 5>, scalar_prefetch = 0 : i64, scratch_operands = 0 : i64, tpu.core_type = #tpu.core_type<tc>, window_params = [{transform_indices = @transform_0, window_bounds = array<i64: 1000, 128>}, {transform_indices = @transform_1, window_bounds = array<i64: 1000, 128>}, {pipeline_mode = #tpu.pipeline_mode<synchronous>, transform_indices = @transform_2, window_bounds = array<i64: 128, 64>}, {transform_indices = @transform_3, window_bounds = array<i64: 1000, 128>}]} {
    %get3A = arith.constant 0 : index
    %get3A_0 = arith.constant 0 : index
    %get3A_1 = vector.load %arg1[%get3A, %get3A_0] : memref<1000x128xf32, #tpu.memory_space<vmem>>, vector<1000x128xf32>
    %get3A_2 = arith.constant 0 : index
    %get3A_3 = arith.constant 0 : index
    %get3A_4 = vector.load %arg3[%get3A_2, %get3A_3] : memref<128x64xf32, #tpu.memory_space<vmem>>, vector<128x64xf32>
    %dot_general3A = arith.constant dense<0.000000e+00> : vector<1000x64xf32>
    %dot_general3A_5 = tpu.matmul %get3A_1, %get3A_4, %dot_general3A {dimension_numbers = #tpu.dot_dimension_numbers<[1], [0], [0], [1], [0, 0, 1, 1], [], []>, transpose_lhs_hint = false} : vector<1000x128xf32>, vector<128x64xf32>, vector<1000x64xf32> -> vector<1000x64xf32>
    %get3A_6 = arith.constant 0 : index
    %get3A_7 = arith.constant 0 : index
    %get3A_8 = vector.load %arg2[%get3A_6, %get3A_7] : memref<1000x128xf32, #tpu.memory_space<vmem>>, vector<1000x128xf32>
    %get3A_9 = arith.constant 0 : index
    %get3A_10 = arith.constant 0 : index
    %get3A_11 = vector.load %arg3[%get3A_9, %get3A_10] : memref<128x64xf32, #tpu.memory_space<vmem>>, vector<128x64xf32>
    %dot_general3A_12 = arith.constant dense<0.000000e+00> : vector<1000x64xf32>
    %dot_general3A_13 = tpu.matmul %get3A_8, %get3A_11, %dot_general3A_12 {dimension_numbers = #tpu.dot_dimension_numbers<[1], [0], [0], [1], [0, 0, 1, 1], [], []>, transpose_lhs_hint = false} : vector<1000x128xf32>, vector<128x64xf32>, vector<1000x64xf32> -> vector<1000x64xf32>
    %concatenate3A = tpu.concatenate %dot_general3A_5, %dot_general3A_13 in 1 : vector<1000x64xf32>, vector<1000x64xf32> -> vector<1000x128xf32>
    %swap3A = arith.constant 0 : index
    %swap3A_14 = arith.constant 0 : index
    %swap3A_15 = vector.load %arg4[%swap3A, %swap3A_14] : memref<1000x128xf32, #tpu.memory_space<vmem>>, vector<1000x128xf32>
    tpu.vector_store %arg4[%swap3A, %swap3A_14], %concatenate3A {strides = array<i32>} : memref<1000x128xf32, #tpu.memory_space<vmem>>, vector<1000x128xf32>,
    return
  }
  func.func @transform_0(%arg0: i32) -> (i32, i32) {
    %c0_i32 = arith.constant 0 : i32
    %c0_i32_0 = arith.constant 0 : i32
    return %arg0, %c0_i32 : i32, i32
  }
  func.func @transform_1(%arg0: i32) -> (i32, i32) {
    %add3A = arith.constant 5 : i32
    %add3A_0 = arith.addi %arg0, %add3A : i32
    %c0_i32 = arith.constant 0 : i32
    %c0_i32_1 = arith.constant 0 : i32
    return %add3A_0, %c0_i32 : i32, i32
  }
  func.func @transform_2(%arg0: i32) -> (i32, i32) {
    %c0_i32 = arith.constant 0 : i32
    %c0_i32_0 = arith.constant 0 : i32
    %c0_i32_1 = arith.constant 0 : i32
    return %c0_i32, %c0_i32_0 : i32, i32
  }
  func.func @transform_3(%arg0: i32) -> (i32, i32) {
    %c0_i32 = arith.constant 0 : i32
    %c0_i32_0 = arith.constant 0 : i32
    return %arg0, %c0_i32 : i32, i32
  }
}

module attributes {stable_mosaic.version = 14 : i64} {
  func.func @_stage_b_body(%arg0: i32, %arg1: memref<2x1000x128xf32, #tpu.memory_space<vmem>>, %arg2: memref<1000x128xf32, #tpu.memory_space<vmem>>, %arg3: memref<1x128xf32, #tpu.memory_space<vmem>>, %arg4: memref<128x128xf32, #tpu.memory_space<vmem>>, %arg5: memref<1x128xf32, #tpu.memory_space<vmem>>, %arg6: memref<128x128xf32, #tpu.memory_space<vmem>>, %arg7: memref<1000x128xf32, #tpu.memory_space<vmem>>) attributes {dimension_semantics = [#tpu.dimension_semantics<arbitrary>], iteration_bounds = array<i64: 5>, scalar_prefetch = 0 : i64, scratch_operands = 0 : i64, tpu.core_type = #tpu.core_type<tc>, window_params = [{transform_indices = @transform_0, window_bounds = array<i64: 2, 1000, 128>}, {transform_indices = @transform_1, window_bounds = array<i64: 1000, 128>}, {pipeline_mode = #tpu.pipeline_mode<synchronous>, transform_indices = @transform_2, window_bounds = array<i64: 1, 128>}, {pipeline_mode = #tpu.pipeline_mode<synchronous>, transform_indices = @transform_3, window_bounds = array<i64: 128, 128>}, {pipeline_mode = #tpu.pipeline_mode<synchronous>, transform_indices = @transform_4, window_bounds = array<i64: 1, 128>}, {pipeline_mode = #tpu.pipeline_mode<synchronous>, transform_indices = @transform_5, window_bounds = array<i64: 128, 128>}, {transform_indices = @transform_6, window_bounds = array<i64: 1000, 128>}]} {
    %get3A = arith.constant 0 : index
    %get3A_0 = arith.constant 0 : index
    %get3A_1 = arith.constant 0 : index
    %get3A_2 = vector.load %arg1[%get3A, %get3A_0, %get3A_1] : memref<2x1000x128xf32, #tpu.memory_space<vmem>>, vector<1x1000x128xf32>
    %get3A_3 = vector.shape_cast %get3A_2 : vector<1x1000x128xf32> to vector<1000x128xf32>
    %get3A_4 = arith.constant 1 : index
    %get3A_5 = arith.constant 0 : index
    %get3A_6 = arith.constant 0 : index
    %get3A_7 = vector.load %arg1[%get3A_4, %get3A_5, %get3A_6] : memref<2x1000x128xf32, #tpu.memory_space<vmem>>, vector<1x1000x128xf32>
    %get3A_8 = vector.shape_cast %get3A_7 : vector<1x1000x128xf32> to vector<1000x128xf32>
    %add3A = arith.addf %get3A_3, %get3A_8 : vector<1000x128xf32>
    %get3A_9 = arith.constant 0 : index
    %get3A_10 = arith.constant 0 : index
    %get3A_11 = vector.load %arg2[%get3A_9, %get3A_10] : memref<1000x128xf32, #tpu.memory_space<vmem>>, vector<1000x128xf32>
    %add3A_12 = arith.addf %add3A, %get3A_11 : vector<1000x128xf32>
    %get3A_13 = arith.constant 0 : index
    %get3A_14 = arith.constant 0 : index
    %get3A_15 = vector.load %arg3[%get3A_13, %get3A_14] : memref<1x128xf32, #tpu.memory_space<vmem>>, vector<1x128xf32>
    %add3A_16 = vector.broadcast %get3A_15 : vector<1x128xf32> to vector<1000x128xf32>
    %add3A_17 = arith.addf %add3A_12, %add3A_16 : vector<1000x128xf32>
    %max3A = arith.constant 0.000000e+00 : f32
    %max3A_18 = vector.broadcast %max3A : f32 to vector<1000x128xf32>
    %max3A_19 = arith.maximumf %add3A_17, %max3A_18 : vector<1000x128xf32>
    %get3A_20 = arith.constant 0 : index
    %get3A_21 = arith.constant 0 : index
    %get3A_22 = vector.load %arg4[%get3A_20, %get3A_21] : memref<128x128xf32, #tpu.memory_space<vmem>>, vector<128x128xf32>
    %dot_general3A = arith.constant dense<0.000000e+00> : vector<1000x128xf32>
    %dot_general3A_23 = tpu.matmul %max3A_19, %get3A_22, %dot_general3A {dimension_numbers = #tpu.dot_dimension_numbers<[1], [0], [0], [1], [0, 0, 1, 1], [], []>, transpose_lhs_hint = false} : vector<1000x128xf32>, vector<128x128xf32>, vector<1000x128xf32> -> vector<1000x128xf32>
    %get3A_24 = arith.constant 0 : index
    %get3A_25 = arith.constant 0 : index
    %get3A_26 = vector.load %arg5[%get3A_24, %get3A_25] : memref<1x128xf32, #tpu.memory_space<vmem>>, vector<1x128xf32>
    %add3A_27 = vector.broadcast %get3A_26 : vector<1x128xf32> to vector<1000x128xf32>
    %add3A_28 = arith.addf %dot_general3A_23, %add3A_27 : vector<1000x128xf32>
    %max3A_29 = arith.constant 0.000000e+00 : f32
    %max3A_30 = vector.broadcast %max3A_29 : f32 to vector<1000x128xf32>
    %max3A_31 = arith.maximumf %add3A_28, %max3A_30 : vector<1000x128xf32>
    %get3A_32 = arith.constant 0 : index
    %get3A_33 = arith.constant 0 : index
    %get3A_34 = vector.load %arg6[%get3A_32, %get3A_33] : memref<128x128xf32, #tpu.memory_space<vmem>>, vector<128x128xf32>
    %dot_general3A_35 = arith.constant dense<0.000000e+00> : vector<1000x128xf32>
    %dot_general3A_36 = tpu.matmul %max3A_31, %get3A_34, %dot_general3A_35 {dimension_numbers = #tpu.dot_dimension_numbers<[1], [0], [0], [1], [0, 0, 1, 1], [], []>, transpose_lhs_hint = false} : vector<1000x128xf32>, vector<128x128xf32>, vector<1000x128xf32> -> vector<1000x128xf32>
    %swap3A = arith.constant 0 : index
    %swap3A_37 = arith.constant 0 : index
    %swap3A_38 = vector.load %arg7[%swap3A, %swap3A_37] : memref<1000x128xf32, #tpu.memory_space<vmem>>, vector<1000x128xf32>
    tpu.vector_store %arg7[%swap3A, %swap3A_37], %dot_general3A_36 {strides = array<i32>} : memref<1000x128xf32, #tpu.memory_space<vmem>>, vector<1000x128xf32>,
    return
  }
  func.func @transform_0(%arg0: i32) -> (i32, i32, i32) {
    %c0_i32 = arith.constant 0 : i32
    %c0_i32_0 = arith.constant 0 : i32
    %c0_i32_1 = arith.constant 0 : i32
    return %c0_i32, %arg0, %c0_i32_0 : i32, i32, i32
  }
  func.func @transform_1(%arg0: i32) -> (i32, i32) {
    %c0_i32 = arith.constant 0 : i32
    %c0_i32_0 = arith.constant 0 : i32
    return %arg0, %c0_i32 : i32, i32
  }
  func.func @transform_2(%arg0: i32) -> (i32, i32) {
    %c0_i32 = arith.constant 0 : i32
    %c0_i32_0 = arith.constant 0 : i32
    %c0_i32_1 = arith.constant 0 : i32
    return %c0_i32, %c0_i32_0 : i32, i32
  }
  func.func @transform_3(%arg0: i32) -> (i32, i32) {
    %c0_i32 = arith.constant 0 : i32
    %c0_i32_0 = arith.constant 0 : i32
    %c0_i32_1 = arith.constant 0 : i32
    return %c0_i32, %c0_i32_0 : i32, i32
  }
  func.func @transform_4(%arg0: i32) -> (i32, i32) {
    %c0_i32 = arith.constant 0 : i32
    %c0_i32_0 = arith.constant 0 : i32
    %c0_i32_1 = arith.constant 0 : i32
    return %c0_i32, %c0_i32_0 : i32, i32
  }
  func.func @transform_5(%arg0: i32) -> (i32, i32) {
    %c0_i32 = arith.constant 0 : i32
    %c0_i32_0 = arith.constant 0 : i32
    %c0_i32_1 = arith.constant 0 : i32
    return %c0_i32, %c0_i32_0 : i32, i32
  }
  func.func @transform_6(%arg0: i32) -> (i32, i32) {
    %c0_i32 = arith.constant 0 : i32
    %c0_i32_0 = arith.constant 0 : i32
    return %arg0, %c0_i32 : i32, i32
  }
}

module attributes {stable_mosaic.version = 14 : i64} {
  func.func @_stage_c_body(%arg0: i32, %arg1: memref<2x1000x128xf32, #tpu.memory_space<vmem>>, %arg2: memref<1000x128xf32, #tpu.memory_space<vmem>>, %arg3: memref<1x128xf32, #tpu.memory_space<vmem>>, %arg4: memref<128x128xf32, #tpu.memory_space<vmem>>, %arg5: memref<128x128xf32, #tpu.memory_space<vmem>>, %arg6: memref<1x128xf32, #tpu.memory_space<vmem>>, %arg7: memref<1000x1xi32, #tpu.memory_space<vmem>>, %arg8: memref<1000x1xi32, #tpu.memory_space<vmem>>, %arg9: memref<128x10xf32, #tpu.memory_space<vmem>>, %arg10: memref<1x10xf32, #tpu.memory_space<vmem>>, %arg11: memref<128x10xf32, #tpu.memory_space<vmem>>, %arg12: memref<128x128xf32, #tpu.memory_space<vmem>>, %arg13: memref<128x1xf32, #tpu.memory_space<vmem>>) attributes {dimension_semantics = [#tpu.dimension_semantics<arbitrary>], iteration_bounds = array<i64: 5>, scalar_prefetch = 0 : i64, scratch_operands = 2 : i64, tpu.core_type = #tpu.core_type<tc>, window_params = [{transform_indices = @transform_0, window_bounds = array<i64: 2, 1000, 128>}, {transform_indices = @transform_1, window_bounds = array<i64: 1000, 128>}, {pipeline_mode = #tpu.pipeline_mode<synchronous>, transform_indices = @transform_2, window_bounds = array<i64: 1, 128>}, {pipeline_mode = #tpu.pipeline_mode<synchronous>, transform_indices = @transform_3, window_bounds = array<i64: 128, 128>}, {pipeline_mode = #tpu.pipeline_mode<synchronous>, transform_indices = @transform_4, window_bounds = array<i64: 128, 128>}, {pipeline_mode = #tpu.pipeline_mode<synchronous>, transform_indices = @transform_5, window_bounds = array<i64: 1, 128>}, {transform_indices = @transform_6, window_bounds = array<i64: 1000, 1>}, {transform_indices = @transform_7, window_bounds = array<i64: 1000, 1>}, {pipeline_mode = #tpu.pipeline_mode<synchronous>, transform_indices = @transform_8, window_bounds = array<i64: 128, 10>}, {pipeline_mode = #tpu.pipeline_mode<synchronous>, transform_indices = @transform_9, window_bounds = array<i64: 1, 10>}, {pipeline_mode = #tpu.pipeline_mode<synchronous>, transform_indices = @transform_10, window_bounds = array<i64: 128, 10>}]} {
    %eq3A = arith.constant 0 : i32
    %eq3A_0 = arith.cmpi eq, %arg0, %eq3A : i32
    %convert_element_type3A = arith.extui %eq3A_0 : i1 to i32
    %cond3A = arith.constant 0 : i32
    %cond3A_1 = arith.cmpi ne, %convert_element_type3A, %cond3A : i32
    scf.if %cond3A_1 {
      %broadcast_in_dim3A_84 = arith.constant 0.000000e+00 : f32
      %broadcast_in_dim3A_85 = vector.broadcast %broadcast_in_dim3A_84 : f32 to vector<128x128xf32>
      %swap3A_86 = arith.constant 0 : index
      %swap3A_87 = arith.constant 0 : index
      %swap3A_88 = vector.load %arg12[%swap3A_86, %swap3A_87] : memref<128x128xf32, #tpu.memory_space<vmem>>, vector<128x128xf32>
      tpu.vector_store %arg12[%swap3A_86, %swap3A_87], %broadcast_in_dim3A_85 {strides = array<i32>} : memref<128x128xf32, #tpu.memory_space<vmem>>, vector<128x128xf32>,
      %broadcast_in_dim3A_89 = arith.constant 0.000000e+00 : f32
      %broadcast_in_dim3A_90 = vector.broadcast %broadcast_in_dim3A_89 : f32 to vector<128x1xf32>
      %swap3A_91 = arith.constant 0 : index
      %swap3A_92 = arith.constant 0 : index
      %swap3A_93 = vector.load %arg13[%swap3A_91, %swap3A_92] : memref<128x1xf32, #tpu.memory_space<vmem>>, vector<128x1xf32>
      tpu.vector_store %arg13[%swap3A_91, %swap3A_92], %broadcast_in_dim3A_90 {strides = array<i32>} : memref<128x1xf32, #tpu.memory_space<vmem>>, vector<128x1xf32>,
    } else {
    }
    %get3A = arith.constant 0 : index
    %get3A_2 = arith.constant 0 : index
    %get3A_3 = arith.constant 0 : index
    %get3A_4 = vector.load %arg1[%get3A, %get3A_2, %get3A_3] : memref<2x1000x128xf32, #tpu.memory_space<vmem>>, vector<1x1000x128xf32>
    %get3A_5 = vector.shape_cast %get3A_4 : vector<1x1000x128xf32> to vector<1000x128xf32>
    %get3A_6 = arith.constant 1 : index
    %get3A_7 = arith.constant 0 : index
    %get3A_8 = arith.constant 0 : index
    %get3A_9 = vector.load %arg1[%get3A_6, %get3A_7, %get3A_8] : memref<2x1000x128xf32, #tpu.memory_space<vmem>>, vector<1x1000x128xf32>
    %get3A_10 = vector.shape_cast %get3A_9 : vector<1x1000x128xf32> to vector<1000x128xf32>
    %add3A = arith.addf %get3A_5, %get3A_10 : vector<1000x128xf32>
    %get3A_11 = arith.constant 0 : index
    %get3A_12 = arith.constant 0 : index
    %get3A_13 = vector.load %arg2[%get3A_11, %get3A_12] : memref<1000x128xf32, #tpu.memory_space<vmem>>, vector<1000x128xf32>
    %add3A_14 = arith.addf %add3A, %get3A_13 : vector<1000x128xf32>
    %get3A_15 = arith.constant 0 : index
    %get3A_16 = arith.constant 0 : index
    %get3A_17 = vector.load %arg3[%get3A_15, %get3A_16] : memref<1x128xf32, #tpu.memory_space<vmem>>, vector<1x128xf32>
    %add3A_18 = vector.broadcast %get3A_17 : vector<1x128xf32> to vector<1000x128xf32>
    %add3A_19 = arith.addf %add3A_14, %add3A_18 : vector<1000x128xf32>
    %max3A = arith.constant 0.000000e+00 : f32
    %max3A_20 = vector.broadcast %max3A : f32 to vector<1000x128xf32>
    %max3A_21 = arith.maximumf %add3A_19, %max3A_20 : vector<1000x128xf32>
    %get3A_22 = arith.constant 0 : index
    %get3A_23 = arith.constant 0 : index
    %get3A_24 = vector.load %arg4[%get3A_22, %get3A_23] : memref<128x128xf32, #tpu.memory_space<vmem>>, vector<128x128xf32>
    %dot_general3A = arith.constant dense<0.000000e+00> : vector<1000x128xf32>
    %dot_general3A_25 = tpu.matmul %max3A_21, %get3A_24, %dot_general3A {dimension_numbers = #tpu.dot_dimension_numbers<[1], [0], [0], [1], [0, 0, 1, 1], [], []>, transpose_lhs_hint = false} : vector<1000x128xf32>, vector<128x128xf32>, vector<1000x128xf32> -> vector<1000x128xf32>
    %get3A_26 = arith.constant 0 : index
    %get3A_27 = arith.constant 0 : index
    %get3A_28 = vector.load %arg6[%get3A_26, %get3A_27] : memref<1x128xf32, #tpu.memory_space<vmem>>, vector<1x128xf32>
    %add3A_29 = vector.broadcast %get3A_28 : vector<1x128xf32> to vector<1000x128xf32>
    %add3A_30 = arith.addf %dot_general3A_25, %add3A_29 : vector<1000x128xf32>
    %get3A_31 = arith.constant 0 : index
    %get3A_32 = arith.constant 0 : index
    %get3A_33 = vector.load %arg5[%get3A_31, %get3A_32] : memref<128x128xf32, #tpu.memory_space<vmem>>, vector<128x128xf32>
    %dot_general3A_34 = arith.constant dense<0.000000e+00> : vector<1000x128xf32>
    %dot_general3A_35 = tpu.matmul %max3A_21, %get3A_33, %dot_general3A_34 {dimension_numbers = #tpu.dot_dimension_numbers<[1], [0], [0], [1], [0, 0, 1, 1], [], []>, transpose_lhs_hint = false} : vector<1000x128xf32>, vector<128x128xf32>, vector<1000x128xf32> -> vector<1000x128xf32>
    %get3A_36 = arith.constant 0 : index
    %get3A_37 = arith.constant 0 : index
    %get3A_38 = vector.load %arg6[%get3A_36, %get3A_37] : memref<1x128xf32, #tpu.memory_space<vmem>>, vector<1x128xf32>
    %add3A_39 = vector.broadcast %get3A_38 : vector<1x128xf32> to vector<1000x128xf32>
    %add3A_40 = arith.addf %dot_general3A_35, %add3A_39 : vector<1000x128xf32>
    %iota3A = tpu.iota {dimensions = array<i32: 1>} : vector<1000x128xi32>
    %get3A_41 = arith.constant 0 : index
    %get3A_42 = arith.constant 0 : index
    %get3A_43 = vector.load %arg7[%get3A_41, %get3A_42] : memref<1000x1xi32, #tpu.memory_space<vmem>>, vector<1000x1xi32>
    %eq3A_44 = vector.broadcast %get3A_43 : vector<1000x1xi32> to vector<1000x128xi32>
    %eq3A_45 = arith.cmpi eq, %eq3A_44, %iota3A : vector<1000x128xi32>
    %convert_element_type3A_46 = arith.extui %eq3A_45 : vector<1000x128xi1> to vector<1000x128xi32>
    %convert_element_type3A_47 = arith.sitofp %convert_element_type3A_46 : vector<1000x128xi32> to vector<1000x128xf32>
    %get3A_48 = arith.constant 0 : index
    %get3A_49 = arith.constant 0 : index
    %get3A_50 = vector.load %arg8[%get3A_48, %get3A_49] : memref<1000x1xi32, #tpu.memory_space<vmem>>, vector<1000x1xi32>
    %eq3A_51 = vector.broadcast %get3A_50 : vector<1000x1xi32> to vector<1000x128xi32>
    %eq3A_52 = arith.cmpi eq, %eq3A_51, %iota3A : vector<1000x128xi32>
    %convert_element_type3A_53 = arith.extui %eq3A_52 : vector<1000x128xi1> to vector<1000x128xi32>
    %convert_element_type3A_54 = arith.sitofp %convert_element_type3A_53 : vector<1000x128xi32> to vector<1000x128xf32>
    %get3A_55 = arith.constant 0 : index
    %get3A_56 = arith.constant 0 : index
    %get3A_57 = vector.load %arg12[%get3A_55, %get3A_56] : memref<128x128xf32, #tpu.memory_space<vmem>>, vector<128x128xf32>
    %dot_general3A_58 = arith.constant dense<0.000000e+00> : vector<128x128xf32>
    %dot_general3A_59 = tpu.matmul %convert_element_type3A_47, %add3A_30, %dot_general3A_58 {dimension_numbers = #tpu.dot_dimension_numbers<[0], [0], [1], [1], [0, 1, 1, 1], [], []>, transpose_lhs_hint = false} : vector<1000x128xf32>, vector<1000x128xf32>, vector<128x128xf32> -> vector<128x128xf32>
    %dot_general3A_60 = arith.constant dense<0.000000e+00> : vector<128x128xf32>
    %dot_general3A_61 = tpu.matmul %convert_element_type3A_54, %add3A_40, %dot_general3A_60 {dimension_numbers = #tpu.dot_dimension_numbers<[0], [0], [1], [1], [0, 1, 1, 1], [], []>, transpose_lhs_hint = false} : vector<1000x128xf32>, vector<1000x128xf32>, vector<128x128xf32> -> vector<128x128xf32>
    %add3A_62 = arith.addf %dot_general3A_59, %dot_general3A_61 : vector<128x128xf32>
    %add3A_63 = arith.addf %get3A_57, %add3A_62 : vector<128x128xf32>
    %swap3A = arith.constant 0 : index
    %swap3A_64 = arith.constant 0 : index
    %swap3A_65 = vector.load %arg12[%swap3A, %swap3A_64] : memref<128x128xf32, #tpu.memory_space<vmem>>, vector<128x128xf32>
    tpu.vector_store %arg12[%swap3A, %swap3A_64], %add3A_63 {strides = array<i32>} : memref<128x128xf32, #tpu.memory_space<vmem>>, vector<128x128xf32>,
    %broadcast_in_dim3A = arith.constant 1.000000e+00 : f32
    %broadcast_in_dim3A_66 = vector.broadcast %broadcast_in_dim3A : f32 to vector<1000x1xf32>
    %get3A_67 = arith.constant 0 : index
    %get3A_68 = arith.constant 0 : index
    %get3A_69 = vector.load %arg13[%get3A_67, %get3A_68] : memref<128x1xf32, #tpu.memory_space<vmem>>, vector<128x1xf32>
    %dot_general3A_70 = arith.constant dense<0.000000e+00> : vector<128x1xf32>
    %dot_general3A_71 = tpu.matmul %convert_element_type3A_47, %broadcast_in_dim3A_66, %dot_general3A_70 {dimension_numbers = #tpu.dot_dimension_numbers<[0], [0], [1], [1], [0, 1, 1, 1], [], []>, transpose_lhs_hint = false} : vector<1000x128xf32>, vector<1000x1xf32>, vector<128x1xf32> -> vector<128x1xf32>
    %dot_general3A_72 = arith.constant dense<0.000000e+00> : vector<128x1xf32>
    %dot_general3A_73 = tpu.matmul %convert_element_type3A_54, %broadcast_in_dim3A_66, %dot_general3A_72 {dimension_numbers = #tpu.dot_dimension_numbers<[0], [0], [1], [1], [0, 1, 1, 1], [], []>, transpose_lhs_hint = false} : vector<1000x128xf32>, vector<1000x1xf32>, vector<128x1xf32> -> vector<128x1xf32>
    %add3A_74 = arith.addf %dot_general3A_71, %dot_general3A_73 : vector<128x1xf32>
    %add3A_75 = arith.addf %get3A_69, %add3A_74 : vector<128x1xf32>
    %swap3A_76 = arith.constant 0 : index
    %swap3A_77 = arith.constant 0 : index
    %swap3A_78 = vector.load %arg13[%swap3A_76, %swap3A_77] : memref<128x1xf32, #tpu.memory_space<vmem>>, vector<128x1xf32>
    tpu.vector_store %arg13[%swap3A_76, %swap3A_77], %add3A_75 {strides = array<i32>} : memref<128x1xf32, #tpu.memory_space<vmem>>, vector<128x1xf32>,
    %eq3A_79 = arith.constant 4 : i32
    %eq3A_80 = arith.cmpi eq, %arg0, %eq3A_79 : i32
    %convert_element_type3A_81 = arith.extui %eq3A_80 : i1 to i32
    %cond3A_82 = arith.constant 0 : i32
    %cond3A_83 = arith.cmpi ne, %convert_element_type3A_81, %cond3A_82 : i32
    scf.if %cond3A_83 {
      %get3A_84 = arith.constant 0 : index
      %get3A_85 = arith.constant 0 : index
      %get3A_86 = vector.load %arg12[%get3A_84, %get3A_85] : memref<128x128xf32, #tpu.memory_space<vmem>>, vector<128x128xf32>
      %get3A_87 = arith.constant 0 : index
      %get3A_88 = arith.constant 0 : index
      %get3A_89 = vector.load %arg13[%get3A_87, %get3A_88] : memref<128x1xf32, #tpu.memory_space<vmem>>, vector<128x1xf32>
      %max3A_90 = arith.constant 1.000000e+00 : f32
      %max3A_91 = vector.broadcast %max3A_90 : f32 to vector<128x1xf32>
      %max3A_92 = arith.maximumf %get3A_89, %max3A_91 : vector<128x1xf32>
      %div3A = vector.broadcast %max3A_92 : vector<128x1xf32> to vector<128x128xf32>
      %div3A_93 = arith.divf %get3A_86, %div3A : vector<128x128xf32>
      %get3A_94 = arith.constant 0 : index
      %get3A_95 = arith.constant 0 : index
      %get3A_96 = vector.load %arg9[%get3A_94, %get3A_95] : memref<128x10xf32, #tpu.memory_space<vmem>>, vector<128x10xf32>
      %dot_general3A_97 = arith.constant dense<0.000000e+00> : vector<128x10xf32>
      %dot_general3A_98 = tpu.matmul %div3A_93, %get3A_96, %dot_general3A_97 {dimension_numbers = #tpu.dot_dimension_numbers<[1], [0], [0], [1], [0, 0, 1, 1], [], []>, transpose_lhs_hint = false} : vector<128x128xf32>, vector<128x10xf32>, vector<128x10xf32> -> vector<128x10xf32>
      %get3A_99 = arith.constant 0 : index
      %get3A_100 = arith.constant 0 : index
      %get3A_101 = vector.load %arg10[%get3A_99, %get3A_100] : memref<1x10xf32, #tpu.memory_space<vmem>>, vector<1x10xf32>
      %add3A_102 = vector.broadcast %get3A_101 : vector<1x10xf32> to vector<128x10xf32>
      %add3A_103 = arith.addf %dot_general3A_98, %add3A_102 : vector<128x10xf32>
      %reduce_max3A = arith.constant dense<0xFF800000> : vector<128xf32>
      %reduce_max3A_104 = vector.multi_reduction <maximumf>, %add3A_103, %reduce_max3A [1] : vector<128x10xf32> to vector<128xf32>
      %broadcast_in_dim3A_105 = vector.shape_cast %reduce_max3A_104 : vector<128xf32> to vector<128x1xf32>
      %sub3A = vector.broadcast %broadcast_in_dim3A_105 : vector<128x1xf32> to vector<128x10xf32>
      %sub3A_106 = arith.subf %add3A_103, %sub3A : vector<128x10xf32>
      %exp3A = math.exp %sub3A_106 : vector<128x10xf32>
      %reduce_sum3A = arith.constant dense<0.000000e+00> : vector<128xf32>
      %reduce_sum3A_107 = vector.multi_reduction <add>, %exp3A, %reduce_sum3A [1] : vector<128x10xf32> to vector<128xf32>
      %broadcast_in_dim3A_108 = vector.shape_cast %reduce_sum3A_107 : vector<128xf32> to vector<128x1xf32>
      %log3A = math.log %broadcast_in_dim3A_108 : vector<128x1xf32>
      %sub3A_109 = vector.broadcast %log3A : vector<128x1xf32> to vector<128x10xf32>
      %sub3A_110 = arith.subf %sub3A_106, %sub3A_109 : vector<128x10xf32>
      %swap3A_111 = arith.constant 0 : index
      %swap3A_112 = arith.constant 0 : index
      %swap3A_113 = vector.load %arg11[%swap3A_111, %swap3A_112] : memref<128x10xf32, #tpu.memory_space<vmem>>, vector<128x10xf32>
      tpu.vector_store %arg11[%swap3A_111, %swap3A_112], %sub3A_110 {strides = array<i32>} : memref<128x10xf32, #tpu.memory_space<vmem>>, vector<128x10xf32>,
    } else {
    }
    return
  }
  func.func @transform_0(%arg0: i32) -> (i32, i32, i32) {
    %c0_i32 = arith.constant 0 : i32
    %c0_i32_0 = arith.constant 0 : i32
    %c0_i32_1 = arith.constant 0 : i32
    return %c0_i32, %arg0, %c0_i32_0 : i32, i32, i32
  }
  func.func @transform_1(%arg0: i32) -> (i32, i32) {
    %c0_i32 = arith.constant 0 : i32
    %c0_i32_0 = arith.constant 0 : i32
    return %arg0, %c0_i32 : i32, i32
  }
  func.func @transform_2(%arg0: i32) -> (i32, i32) {
    %c0_i32 = arith.constant 0 : i32
    %c0_i32_0 = arith.constant 0 : i32
    %c0_i32_1 = arith.constant 0 : i32
    return %c0_i32, %c0_i32_0 : i32, i32
  }
  func.func @transform_3(%arg0: i32) -> (i32, i32) {
    %c0_i32 = arith.constant 0 : i32
    %c0_i32_0 = arith.constant 0 : i32
    %c0_i32_1 = arith.constant 0 : i32
    return %c0_i32, %c0_i32_0 : i32, i32
  }
  func.func @transform_4(%arg0: i32) -> (i32, i32) {
    %c0_i32 = arith.constant 0 : i32
    %c0_i32_0 = arith.constant 0 : i32
    %c0_i32_1 = arith.constant 0 : i32
    return %c0_i32, %c0_i32_0 : i32, i32
  }
  func.func @transform_5(%arg0: i32) -> (i32, i32) {
    %c0_i32 = arith.constant 0 : i32
    %c0_i32_0 = arith.constant 0 : i32
    %c0_i32_1 = arith.constant 0 : i32
    return %c0_i32, %c0_i32_0 : i32, i32
  }
  func.func @transform_6(%arg0: i32) -> (i32, i32) {
    %c0_i32 = arith.constant 0 : i32
    %c0_i32_0 = arith.constant 0 : i32
    return %arg0, %c0_i32 : i32, i32
  }
  func.func @transform_7(%arg0: i32) -> (i32, i32) {
    %add3A = arith.constant 5 : i32
    %add3A_0 = arith.addi %arg0, %add3A : i32
    %c0_i32 = arith.constant 0 : i32
    %c0_i32_1 = arith.constant 0 : i32
    return %add3A_0, %c0_i32 : i32, i32
  }
  func.func @transform_8(%arg0: i32) -> (i32, i32) {
    %c0_i32 = arith.constant 0 : i32
    %c0_i32_0 = arith.constant 0 : i32
    %c0_i32_1 = arith.constant 0 : i32
    return %c0_i32, %c0_i32_0 : i32, i32
  }
  func.func @transform_9(%arg0: i32) -> (i32, i32) {
    %c0_i32 = arith.constant 0 : i32
    %c0_i32_0 = arith.constant 0 : i32
    %c0_i32_1 = arith.constant 0 : i32
    return %c0_i32, %c0_i32_0 : i32, i32
  }
  func.func @transform_10(%arg0: i32) -> (i32, i32) {
    %c0_i32 = arith.constant 0 : i32
    %c0_i32_0 = arith.constant 0 : i32
    %c0_i32_1 = arith.constant 0 : i32
    return %c0_i32, %c0_i32_0 : i32, i32
  }
}

</mosaic_0001>

<sc_bundles>
// kernel: kernel.10.cloned.1.call-start
scs
__scs_entry_jumppad:
0x0: {  	(pc) =	sbr.rel $0x88, $3  }
0x1: {  	(tag) =	ssettag $0x0;
	lr =	simm.s32 $0x1  }
0x2: {  	[smem:$0x3F94] =	sst lr;
	_ =	strace $0xD0000000  }
0x3: {  	_ = 	snop  }
0x4: {  	_ = 	snop  }
0x5: {  	_ = 	snop  }
0x6: {  	_ = 	snop  }
0x7: {  	_ = 	snop  }
__scs_overlays_trampoline_lowered:
0x8: {  	[smem:$0x3FA3] =	sst s0  }
0x9: {  	[smem:$0x3FA4] =	sst s1  }
0xa: {  	[smem:$0x3FA5] =	sst s2  }
0xb: {  	[smem:$0x3FA6] =	sst s3  }
0xc: {  	[smem:$0x3FA7] =	sst s4  }
0xd: {  	[smem:$0x3FA8] =	sst s5  }
0xe: {  	[smem:$0x3FA9] =	sst s6  }
0xf: {  	[smem:$0x3FAA] =	sst s7  }
0x10: {  	[smem:$0x3FAB] =	sst s8  }
0x11: {  	[smem:$0x3FAC] =	sst s9;
	s0 =	simm.s32 @!p0 $0x0  }
0x12: {  	s1 =	sld [smem:$0x3F92];
	s0 =	simm.s32 @p0 $0x1  }
0x13: {  	[smem:$0x3FAD] =	sst s0;
	s0 =	simm.s32 @!p1 $0x0  }
0x14: {  	s2 =	sld [smem:$0x3F91];
	s0 =	simm.s32 @p1 $0x1  }
0x15: {  	[smem:$0x3FAE] =	sst s0;
	s0 =	simm.s32 @!p2 $0x0  }
0x16: {  	s3 =	sld [smem:$0x3FDB];
	s0 =	simm.s32 @p2 $0x1  }
0x17: {  	s4 =	simm.s32 $0x1BF5;
	[smem:$0x3FB0] =	sst s0  }
0x18: {  	s0 =	sld [smem:$0x3F93];
	_ =	swait.ge [sflag:s4], $0x0  }
0x19: {  	s7 =	sld [smem:$0x3F94]  }
0x1a: {  	s8 =	sadd.s32 $0xFFFFE003, lr  }
0x1b: {  	s9 =	sadd.s32 $0xFFFFFEF7, lr;
	s5 =	simm.s32 $0xFFFFFFFF;
	p2 =	slt.u32 s8, $0xFFFFF086  }
0x1c: {  	p1 =	slt.u32 s9, $0xF7A;
	s5 =	simm.s32 @!p2 $0x0  }
0x1d: {  	s5 =	simm.s32 @p1 $0x1;
	p0 =	seq.s32 s7, s2  }
0x1e: {  	s7 =	smul.u32 @!p0 $0xF7A, s2;
	p2 =	seq.s32 @!p0 s5, $0x0  }
0x1f: {  	s9 =	smul.u32 $0xF7A, s1;
	s8 =	simm.s32 @!p0 $0x1BF5;
	p2 =	por !p2, p0  }
0x20: {  	[sflag:s8] =	ssyncset.s32 @!p0 $0xFFFFF086;
	s6 =	sadd.s32 @!p0 s3, s7;
	s7 =	simm.s32 @!p0 $0x108  }
0x21: {  	s3 =	sadd.s32 s3, s9;
	s6 =	sadd.s32 @!p0 $0x88, s6;
	s7 =	simm.s32 @p2 $0x1082  }
0x22: {  	[simem:s7], [sflag:s8] =	dma.local @!p0 [hbm:s6], $0xF7A  }
0x23: {  	s9 =	sor.u32 $0xD0000000, s2;
	s6 =	simm.s32 $0x108;
	_ =	swait.ge @!p0 [sflag:s8], $0x0  }
0x24: {  	s3 =	sadd.s32 $0x88, s3;
	s6 =	simm.s32 @!p1 $0x1082;
	[sflag:s4] =	ssyncset.s32 $0xFFFFF086  }
0x25: {  	[simem:s6], [sflag:s4] =	dma.local [hbm:s3], $0xF7A  }
0x26: {  	[smem:$0x3F94] =	sst s1;
	(tag) =	ssettag s2;
	_ =	strace s9  }
0x27: {  	s1 =	sld [smem:$0x3FA4]  }
0x28: {  	s2 =	sld [smem:$0x3FA5]  }
0x29: {  	s4 =	sld [smem:$0x3FA7]  }
0x2a: {  	p0 =	seq.s32 s5, $0x0;
	s5 =	sld [smem:$0x3FA8]  }
0x2b: {  	s6 =	sld [smem:$0x3FA9]  }
0x2c: {  	s7 =	sld [smem:$0x3FAA]  }
0x2d: {  	s3 =	simm.s32 $0x108;
	s8 =	sld [smem:$0x3FAB]  }
0x2e: {  	s3 =	simm.s32 @!p0 $0x1082;
	s9 =	sld [smem:$0x3FAC]  }
0x2f: {  	lr =	sadd.s32 s0, s3;
	s0 =	sld [smem:$0x3FA3]  }
0x30: {  	s3 =	sld [smem:$0x3FA6]  }
0x31: {  	[smem:$0x3FAF] =	sst s10  }
0x32: {  	s10 =	sld [smem:$0x3FAD];
	_ =	sdelay $0x3  }
0x33: {  	p0 =	seq.s32 s10, $0x1;
	s10 =	sld [smem:$0x3FAF];
	_ =	sdelay $0x3  }
0x34: {  	[smem:$0x3FAF] =	sst s10  }
0x35: {  	s10 =	sld [smem:$0x3FAE];
	_ =	sdelay $0x3  }
0x36: {  	p1 =	seq.s32 s10, $0x1;
	s10 =	sld [smem:$0x3FAF];
	_ =	sdelay $0x3  }
0x37: {  	[smem:$0x3FAF] =	sst s10  }
0x38: {  	s10 =	sld [smem:$0x3FB0]  }
0x39: {  	_ = 	snop;
	(pc) =	sbr.ind lr, $3  }
0x3a: {  	_ = 	snop  }
0x3b: {  	_ = 	snop  }
0x3c: {  	p2 =	seq.s32 s10, $0x1;
	s10 =	sld [smem:$0x3FAF]  }
0x3d: {  	_ =	shalt  }
0x3e: {  	_ =	shalt  }
0x3f: {  	_ =	shalt  }
0x40: {  	_ =	shalt  }
0x41: {  	_ =	shalt  }
0x42: {  	_ =	shalt  }
0x43: {  	_ =	shalt  }
0x44: {  	_ =	shalt  }
0x45: {  	_ =	shalt  }
0x46: {  	_ =	shalt  }
0x47: {  	_ =	shalt  }
0x48: {  	_ =	shalt  }
0x49: {  	_ =	shalt  }
0x4a: {  	_ =	shalt  }
0x4b: {  	_ =	shalt  }
0x4c: {  	_ =	shalt  }
0x4d: {  	_ =	shalt  }
0x4e: {  	_ =	shalt  }
0x4f: {  	_ =	shalt  }
0x50: {  	_ =	shalt  }
0x51: {  	_ =	shalt  }
0x52: {  	_ =	shalt  }
0x53: {  	_ =	shalt  }
0x54: {  	_ =	shalt  }
0x55: {  	_ =	shalt  }
0x56: {  	_ =	shalt  }
0x57: {  	_ =	shalt  }
0x58: {  	_ =	shalt  }
0x59: {  	_ =	shalt  }
0x5a: {  	_ =	shalt  }
0x5b: {  	_ =	shalt  }
0x5c: {  	_ =	shalt  }
0x5d: {  	_ =	shalt  }
0x5e: {  	_ =	shalt  }
0x5f: {  	_ =	shalt  }
0x60: {  	_ =	shalt  }
0x61: {  	_ =	shalt  }
0x62: {  	_ =	shalt  }
0x63: {  	_ =	shalt  }
0x64: {  	_ =	shalt  }
0x65: {  	_ =	shalt  }
0x66: {  	_ =	shalt  }
0x67: {  	_ =	shalt  }
0x68: {  	_ =	shalt  }
0x69: {  	_ =	shalt  }
0x6a: {  	_ =	shalt  }
0x6b: {  	_ =	shalt  }
0x6c: {  	_ =	shalt  }
0x6d: {  	_ =	shalt  }
0x6e: {  	_ =	shalt  }
0x6f: {  	_ =	shalt  }
0x70: {  	_ =	shalt  }
0x71: {  	_ =	shalt  }
0x72: {  	_ =	shalt  }
0x73: {  	_ =	shalt  }
0x74: {  	_ =	shalt  }
0x75: {  	_ =	shalt  }
0x76: {  	_ =	shalt  }
0x77: {  	_ =	shalt  }
0x78: {  	_ =	shalt  }
0x79: {  	_ =	shalt  }
0x7a: {  	_ =	shalt  }
0x7b: {  	_ =	shalt  }
0x7c: {  	_ =	shalt  }
0x7d: {  	_ =	shalt  }
0x7e: {  	_ =	shalt  }
0x7f: {  	_ =	shalt  }
0x80: {  	_ =	shalt  }
0x81: {  	_ =	shalt  }
0x82: {  	_ =	shalt  }
0x83: {  	_ =	shalt  }
0x84: {  	_ =	shalt  }
0x85: {  	_ =	shalt  }
0x86: {  	_ =	shalt  }
0x87: {  	_ =	shalt  }
.Lfunc_end0:
.L_simem_size_0:
called_computation.1_lowered:
.L_overlay_start_0:
0x88: {  	s2 =	sld [smem:$0x3FD9]  }
0x89: {  	s3 =	sld [smem:$0x3FFE];
	_ =	sdelay $0x1  }
0x8a: {  	s1 =	srdreg.scid  }
0x8b: {  	s0 =	sand.u32 $0x1, s1  }
0x8c: {  	s16 =	sshll.u32 s0, $0xA;
	s2 =	sadd.s32 s3, s2  }
0x8d: {  	s2 =	sadd.s32 s2, s16  }
0x8e: {  	[smem:$0x3FBB] =	sst s2  }
0x8f: {  	_ = 	snop  }
0x90: {  	(tm) =	ssettm $0x1  }
0x91: {  	s17 =	sld [smem:$0x3FFB];
	_ =	sdelay $0x3  }
0x92: {  	_ =	strace s17  }
0x93: {  	s2 =	sld [smem:$0x3FFC];
	_ =	sdelay $0x3  }
0x94: {  	_ =	strace s2  }
0x95: {  	s2 =	sld [smem:$0x3FFD];
	_ =	sdelay $0x3  }
0x96: {  	_ =	strace s2  }
0x97: {  	_ =	strace $0x8FFFFFFF  }
0x98: {  	s18 =	sld [smem:$0x3FDB];
	_ =	sdelay $0x1  }
0x99: {  	s19 =	simm.s32 $_scs_section_size  }
0x9a: {  	s4 =	simm.s32 $_size__tile_overlayer_lowered;
	s5 =	simm.s32 $_tile_overlayer_lowered  }
0x9b: {  	s22 =	simm.s32 $0x1BFF;
	s21 =	sshll.u32 s5, $0x1;
	s2 =	sadd.s32 s19, s18  }
0x9c: {  	s6 =	simm.s32 $0x0;
	s20 =	sshll.u32 s4, $0x1;
	s4 =	sadd.s32 s21, s2  }
0x9d: {  	[timem:s6], [sflag:s22] =	dma.local [hbm:s4], s20  }
0x9e: {  	_ =	swait.ge [sflag:s22], s20  }
0x9f: {  	s3 =	ssub.s32 $0x0, s20;
	[sflag:s22] =	ssyncset.done $0x0  }
0xa0: {  	[sflag:s22] =	ssyncadd.s32 s3;
	_ =	sdelay $0x1  }
0xa1: {  	s23 =	simm.s32 $0x1B8B  }
0xa2: {  	_ =	swait.ge [sflag:s23], $0x1  }
0xa3: {  	[sflag:s23] =	ssyncset.done $0x0  }
0xa4: {  	s25 =	simm.s32 $0x1B8E;
	s24 =	sld [smem:$0x3FFE];
	[sflag:s23] =	ssyncadd.s32 $0xFFFFFFFF  }
0xa5: {  	s26 =	simm.s32 $execute0_lowered;
	[smem:$0x3FD2] =	sst s25  }
0xa6: {  	s4 =	sshll.u32 s26, $0x1;
	_ =	strace $0x80000049;
	[dreg:$0x1] =	wrdreg $0xFFFFFFFF  }
0xa7: {  	s28 =	simm.s32 $_size_execute0_lowered;
	s2 =	sadd.s32 s2, s4;
	[dreg:$0x0] =	wrdreg $0x0  }
0xa8: {  	s4 =	sshll.u32 s28, $0x1;
	[dreg:$0x2] =	wrdreg s2  }
0xa9: {  	[dreg:$0x3] =	wrdreg s4  }
0xaa: {  	[dreg:$0x4] =	wrdreg $0xC0  }
0xab: {  	_ =	task [dreg:s6], $0x5FFFF  }
0xac: {  	[dreg:$0x1] =	wrdreg $0xFFFFFFFF  }
0xad: {  	[dreg:$0x0] =	wrdreg $0x60  }
0xae: {  	[dreg:$0x2] =	wrdreg s24  }
0xaf: {  	[dreg:$0x3] =	wrdreg $0xCD000  }
0xb0: {  	[dreg:$0x4] =	wrdreg $0x9  }
0xb1: {  	_ =	task.clear_ibuf [dreg:s6], $0x5FFFF;
	_ =	strace $0x90000049  }
0xb2: {  	s29 =	simm.s32 $0x9;
	_ =	strace $0x8000004B  }
0xb3: {  	_ =	swait.ge [sflag:s29], $0x1  }
0xb4: {  	[sflag:s29] =	ssyncadd.s32 $0xFFFFFFFF  }
0xb5: {  	_ =	strace $0x9000004B  }
0xb6: {  	_ =	sfence  }
0xb7: {  	s30 =	sld [smem:$0x0];
	_ =	sdelay $0x2  }
0xb8: {  	s31 =	sshll.u32 s1, $0xD;
	s1 =	sshrl.u32 s1, $0x2  }
0xb9: {  	s3 =	sand.u32 $0x4000, s31;
	s1 =	sadd.s32 s1, s30  }
0xba: {  	s0 =	sor.u32 s3, s0;
	s1 =	sshll.u32 s1, $0x11  }
0xbb: {  	s0 =	sor.u32 s1, s0  }
0xbc: {  	s0 =	sadd.s32 $0x8F2B, s0  }
0xbd: {  	[sflag:s0] =	ssyncadd.remote.s32 $0x1  }
0xbe: {  	_ =	sfence.sel $0xFFFF  }
0xbf: {  	[dreg:$0x0] =	wrdreg $0xFFFFFFFF;
	(pc) =	sbr.abs _section_cstart, $3  }
0xc0: {  	[dreg:$0x1] =	wrdreg $0xFFFFFFFF  }
0xc1: {  	_ =	task.clear_ibuf [dreg:s6], $0x2FFFF;
	_ =	strace $0x9FFFFFFF  }
0xc2: {  	(tm) =	ssettm $0x7FFFFFFF  }
0xc3: {  	_ =	shalt  }
tec
execute0_lowered:
.L_overlay_start_1:
0x0: {  	(tag) =	ssettag $0x1  }
0x1: {  	s0 =	srdreg.scid;
	s5 =	rddreg [dreg:$0x0]  }
0x2: {  	s4 =	stileid.u32;
	s2 =	rddreg [dreg:$0x1];
	s3 =	simm.s32 $0x0  }
0x3: {  	s14 =	simm.s32 $0x5000;
	s15 =	simm.s32 $0x5;
	s17 =	simm.s32 $0x7D  }
0x4: {  	s19 =	simm.s32 $0x6F40;
	s21 =	simm.s32 $0x8E80;
	s23 =	simm.s32 $0xADC0  }
0x5: {  	s24 =	simm.s32 $0x1;
	s25 =	simm.s32 $0x2;
	s28 =	simm.s32 $0x4  }
0x6: {  	s18 =	simm.s32 $0x4D80;
	s20 =	simm.s32 $0x2780;
	s22 =	simm.s32 $0x4E00  }
0x7: {  	s29 =	simm.s32 $0x4E80;
	s30 =	simm.s32 $0x4F00;
	s6 =	smul.u32 $0x9C40, s4  }
0x8: {  	s31 =	simm.s32 $0x4F80;
	s0 =	sand.u32 $0x1, s0;
	s8 =	smul.u32 $0x27100, s4  }
0x9: {  	[smem:$0x7FF] =	sst s3;
	s1 =	sshll.u32 s0, $0x4;
	s7 =	smul.u32 $0x9C400, s0  }
0xa: {  	_ =	strace $0x8000004A;
	s0 =	ssub.s32 $0x2, s0;
	s1 =	sor.u32 s4, s1  }
0xb: {  	s4 =	sadd.s32 $0x17800, s5;
	s8 =	sshrl.u32 s8, $0x2;
	s26 =	sshrl.u32 s0, $0x1  }
0xc: {  	s1 =	smul.u32 $0x2800, s1;
	s7 =	sadd.s32 s6, s7;
	s9 =	sadd.s32 s8, s2  }
0xd: {  	s0 =	ssub.s32 s0, s26;
	s26 =	simm.s32 $0x3;
	s7 =	sshrl.u32 s7, $0x3  }
0xe: {  	s8 =	sadd.s32 $0x5DC0, s9;
	s13 =	smax.u32 s0, $0x1;
	s1 =	sshrl.u32 s1, $0x3  }
0xf: {  	s12 =	sadd.s32 s7, s5;
	s7 =	sadd.s32 $0x3E80, s9;
	s1 =	sadd.s32 s1, s5  }
0x10: {  	s5 =	sadd.s32 s6, s2;
	s6 =	sadd.s32 $0x1F40, s9;
	s9 =	sadd.s32 $0x7D00, s9  }
0x11: {  	v0 =	vimm.f32 $0.0e+00;
	s12 =	sadd.s32 $0x2B200, s12;
	s10 =	sadd.s32 $0x3800, s1;
	s11 =	sadd.s32 $0xD800, s1  }
.LBB2_1:
0x12: {  	s1 =	simm.s32 $0x100;
	s0 =	simm.s32 $0x0  }
.LBB2_2:
0x13: {  	p0 =	sne.s32 s1, $0x7C00;
	[tilespmem:s0+$0x5030] =	vst v0;
	s16 =	smov.u32 s1;
	s1 =	sadd.s32 $0x100, s1  }
.Ltmp0:
0x14: {  	[tilespmem:s0+$0x5020] =	vst v0;
	(pc) =	sbr.rel @p0 .LBB2_2-.Ltmp0, $3  }
0x15: {  	[tilespmem:s0+$0x5000] =	vst v0  }
0x16: {  	[tilespmem:s0+$0x5010] =	vst v0;
	_ =	sdelay $0x1  }
0x17: {  	s0 =	sshra.s32 s16, $0x2  }
0x18: {  	[tilespmem:s0+$0x5030] =	vst v0  }
0x19: {  	[tilespmem:s0+$0x5020] =	vst v0  }
0x1a: {  	[tilespmem:s0+$0x5000] =	vst v0  }
0x1b: {  	[tilespmem:s0+$0x5010] =	vst v0  }
0x1c: {  	[spmem:s5] =	stream.linear.scatter [tilespmem:s14], [sflag:$0x5], $0x1F40, $0x38;
	[tilespmem:$0x16940] =	vst v63  }
0x1d: {  	_ =	swait.ge [sflag:s15], $0x1F40  }
0x1e: {  	[sflag:s15] =	ssyncset.done $0x0  }
0x1f: {  	[sflag:s15] =	ssyncadd.s32 $0xFFFFE0C0  }
0x20: {  	[spmem:s6] =	stream.linear.scatter [tilespmem:s14], [sflag:$0x5], $0x1F40, $0x38;
	[tilespmem:$0x16940] =	vst v63  }
0x21: {  	_ =	swait.ge [sflag:s15], $0x1F40  }
0x22: {  	[sflag:s15] =	ssyncset.done $0x0  }
0x23: {  	[sflag:s15] =	ssyncadd.s32 $0xFFFFE0C0  }
0x24: {  	[spmem:s7] =	stream.linear.scatter [tilespmem:s14], [sflag:$0x5], $0x1F40, $0x38;
	[tilespmem:$0x16940] =	vst v63  }
0x25: {  	_ =	swait.ge [sflag:s15], $0x1F40  }
0x26: {  	[sflag:s15] =	ssyncset.done $0x0  }
0x27: {  	[sflag:s15] =	ssyncadd.s32 $0xFFFFE0C0  }
0x28: {  	[spmem:s8] =	stream.linear.scatter [tilespmem:s14], [sflag:$0x5], $0x1F40, $0x38;
	[tilespmem:$0x16940] =	vst v63  }
0x29: {  	_ =	swait.ge [sflag:s15], $0x1F40  }
0x2a: {  	[sflag:s15] =	ssyncset.done $0x0  }
0x2b: {  	[sflag:s15] =	ssyncadd.s32 $0xFFFFE0C0  }
0x2c: {  	[spmem:s9] =	stream.linear.scatter [tilespmem:s14], [sflag:$0x5], $0x1F40, $0x38;
	[tilespmem:$0x16940] =	vst v63  }
0x2d: {  	_ =	swait.ge [sflag:s15], $0x1F40  }
0x2e: {  	[sflag:s15] =	ssyncset.done $0x0  }
0x2f: {  	s16 =	simm.s32 $0x0;
	[sflag:s15] =	ssyncadd.s32 $0xFFFFE0C0  }
0x30: {  	[tilespmem:s16], [sflag:$0x5] =	stream.linear.gather [hbm4b:s10+s16], $0x2800, $0x38;
	[tilespmem:$0x16940] =	vst v63  }
0x31: {  	_ =	swait.ge [sflag:s15], $0x2800  }
0x32: {  	[sflag:s15] =	ssyncset.done $0x0  }
0x33: {  	s1 =	simm.s32 $0x2800;
	[sflag:s15] =	ssyncadd.s32 $0xFFFFD800  }
0x34: {  	[tilespmem:s1], [sflag:$0x5] =	stream.linear.gather [hbm4b:s11+s16], $0x2800, $0x38;
	[tilespmem:$0x16940] =	vst v63  }
0x35: {  	_ =	swait.ge [sflag:s15], $0x2800  }
0x36: {  	[sflag:s15] =	ssyncset.done $0x0  }
0x37: {  	[sflag:s15] =	ssyncadd.s32 $0xFFFFD800  }
0x38: {  	[bflag:$0x0] =	sbarrier.arrive $0xFFFF  }
0x39: {  	[tilespmem:s14], [sflag:$0x1] =	stream.indirect.gather [hbm4b:s4+s17], $0x40, s16, s17, $0xb8;
	[tilespmem:$0x16940] =	vst v63  }
0x3a: {  	s1 =	simm.s32 $0x80  }
0x3b: {  	[tilespmem:s19], [sflag:$0x2] =	stream.indirect.gather [hbm4b:s4+s17], $0x40, s1, s17, $0xb8;
	[tilespmem:$0x16940] =	vst v63  }
0x3c: {  	s16 =	simm.s32 $0x100  }
0x3d: {  	[tilespmem:s21], [sflag:$0x3] =	stream.indirect.gather [hbm4b:s4+s17], $0x40, s16, s17, $0xb8;
	[tilespmem:$0x16940] =	vst v63  }
0x3e: {  	s1 =	simm.s32 $0x180  }
0x3f: {  	[tilespmem:s23], [sflag:$0x4] =	stream.indirect.gather [hbm4b:s4+s17], $0x40, s1, s17, $0xb8;
	[tilespmem:$0x16940] =	vst v63  }
0x40: {  	_ =	swait.ge [sflag:s24], $0x1F40  }
0x41: {  	[sflag:s24] =	ssyncset.done $0x0  }
0x42: {  	s16 =	simm.s32 $0x2800;
	[sflag:s24] =	ssyncadd.s32 $0xFFFFE0C0  }
0x43: {  	[spmem:s2] =	stream.indirect.scatter.add.f32 [tilespmem:s14], [sflag:$0x5], $0x40, s16, s17, $0xb8;
	[tilespmem:$0x16940] =	vst v63  }
0x44: {  	_ =	swait.ge [sflag:s15], $0x1F40  }
0x45: {  	[sflag:s15] =	ssyncset.done $0x0  }
0x46: {  	s1 =	simm.s32 $0x200;
	[sflag:s15] =	ssyncadd.s32 $0xFFFFE0C0  }
0x47: {  	[tilespmem:s14], [sflag:$0x1] =	stream.indirect.gather [hbm4b:s4+s17], $0x40, s1, s17, $0xb8;
	[tilespmem:$0x16940] =	vst v63  }
0x48: {  	_ =	swait.ge [sflag:s25], $0x1F40  }
0x49: {  	[sflag:s25] =	ssyncset.done $0x0  }
0x4a: {  	s16 =	simm.s32 $0x2880;
	[sflag:s25] =	ssyncadd.s32 $0xFFFFE0C0  }
0x4b: {  	[spmem:s2] =	stream.indirect.scatter.add.f32 [tilespmem:s19], [sflag:$0x5], $0x40, s16, s17, $0xb8;
	[tilespmem:$0x16940] =	vst v63  }
0x4c: {  	_ =	swait.ge [sflag:s15], $0x1F40  }
0x4d: {  	[sflag:s15] =	ssyncset.done $0x0  }
0x4e: {  	s1 =	simm.s32 $0x280;
	[sflag:s15] =	ssyncadd.s32 $0xFFFFE0C0  }
0x4f: {  	[tilespmem:s19], [sflag:$0x2] =	stream.indirect.gather [hbm4b:s4+s17], $0x40, s1, s17, $0xb8;
	[tilespmem:$0x16940] =	vst v63  }
0x50: {  	_ =	swait.ge [sflag:s26], $0x1F40  }
0x51: {  	[sflag:s26] =	ssyncset.done $0x0  }
0x52: {  	s16 =	simm.s32 $0x2900;
	[sflag:s26] =	ssyncadd.s32 $0xFFFFE0C0  }
0x53: {  	[spmem:s2] =	stream.indirect.scatter.add.f32 [tilespmem:s21], [sflag:$0x5], $0x40, s16, s17, $0xb8;
	[tilespmem:$0x16940] =	vst v63  }
0x54: {  	_ =	swait.ge [sflag:s15], $0x1F40  }
0x55: {  	[sflag:s15] =	ssyncset.done $0x0  }
0x56: {  	s1 =	simm.s32 $0x300;
	[sflag:s15] =	ssyncadd.s32 $0xFFFFE0C0  }
0x57: {  	[tilespmem:s21], [sflag:$0x3] =	stream.indirect.gather [hbm4b:s4+s17], $0x40, s1, s17, $0xb8;
	[tilespmem:$0x16940] =	vst v63  }
0x58: {  	_ =	swait.ge [sflag:s28], $0x1F40  }
0x59: {  	[sflag:s28] =	ssyncset.done $0x0  }
0x5a: {  	s16 =	simm.s32 $0x2980;
	[sflag:s28] =	ssyncadd.s32 $0xFFFFE0C0  }
0x5b: {  	[spmem:s2] =	stream.indirect.scatter.add.f32 [tilespmem:s23], [sflag:$0x5], $0x40, s16, s17, $0xb8;
	[tilespmem:$0x16940] =	vst v63  }
0x5c: {  	_ =	swait.ge [sflag:s15], $0x1F40  }
0x5d: {  	[sflag:s15] =	ssyncset.done $0x0  }
0x5e: {  	s0 =	simm.s32 $0x380;
	s1 =	simm.s32 $0x800;
	[sflag:s15] =	ssyncadd.s32 $0xFFFFE0C0  }
.LBB2_4:
0x5f: {  	[tilespmem:s23], [sflag:$0x4] =	stream.indirect.gather [hbm4b:s4+s17], $0x40, s0, s17, $0xb8;
	[tilespmem:$0x16940] =	vst v63  }
0x60: {  	s0 =	smov.u32 s1  }
0x61: {  	p0 =	sne.s32 s1, $0x8800;
	s1 =	sadd.s32 $0x800, s1;
	_ =	swait.ge [sflag:s24], $0x1F40  }
0x62: {  	s0 =	sshra.s32 s0, $0x2;
	[sflag:s24] =	ssyncset.done $0x0  }
0x63: {  	s16 =	sadd.s32 $0x2800, s0;
	[sflag:s24] =	ssyncadd.s32 $0xFFFFE0C0  }
0x64: {  	[spmem:s2] =	stream.indirect.scatter.add.f32 [tilespmem:s14], [sflag:$0x5], $0x40, s16, s17, $0xb8;
	[tilespmem:$0x16940] =	vst v63  }
0x65: {  	_ =	swait.ge [sflag:s15], $0x1F40  }
0x66: {  	[sflag:s15] =	ssyncset.done $0x0  }
0x67: {  	s16 =	sadd.s32 $0x200, s0;
	[sflag:s15] =	ssyncadd.s32 $0xFFFFE0C0  }
0x68: {  	[tilespmem:s14], [sflag:$0x1] =	stream.indirect.gather [hbm4b:s4+s17], $0x40, s16, s17, $0xb8;
	[tilespmem:$0x16940] =	vst v63  }
0x69: {  	_ =	swait.ge [sflag:s25], $0x1F40  }
0x6a: {  	[sflag:s25] =	ssyncset.done $0x0  }
0x6b: {  	s16 =	sadd.s32 $0x2880, s0;
	[sflag:s25] =	ssyncadd.s32 $0xFFFFE0C0  }
0x6c: {  	[spmem:s2] =	stream.indirect.scatter.add.f32 [tilespmem:s19], [sflag:$0x5], $0x40, s16, s17, $0xb8;
	[tilespmem:$0x16940] =	vst v63  }
0x6d: {  	_ =	swait.ge [sflag:s15], $0x1F40  }
0x6e: {  	[sflag:s15] =	ssyncset.done $0x0  }
0x6f: {  	s16 =	sadd.s32 $0x280, s0;
	[sflag:s15] =	ssyncadd.s32 $0xFFFFE0C0  }
0x70: {  	[tilespmem:s19], [sflag:$0x2] =	stream.indirect.gather [hbm4b:s4+s17], $0x40, s16, s17, $0xb8;
	[tilespmem:$0x16940] =	vst v63  }
0x71: {  	_ =	swait.ge [sflag:s26], $0x1F40  }
0x72: {  	[sflag:s26] =	ssyncset.done $0x0  }
0x73: {  	s16 =	sadd.s32 $0x2900, s0;
	[sflag:s26] =	ssyncadd.s32 $0xFFFFE0C0  }
0x74: {  	[spmem:s2] =	stream.indirect.scatter.add.f32 [tilespmem:s21], [sflag:$0x5], $0x40, s16, s17, $0xb8;
	[tilespmem:$0x16940] =	vst v63  }
0x75: {  	_ =	swait.ge [sflag:s15], $0x1F40  }
0x76: {  	[sflag:s15] =	ssyncset.done $0x0  }
0x77: {  	s16 =	sadd.s32 $0x300, s0;
	[sflag:s15] =	ssyncadd.s32 $0xFFFFE0C0  }
0x78: {  	[tilespmem:s21], [sflag:$0x3] =	stream.indirect.gather [hbm4b:s4+s17], $0x40, s16, s17, $0xb8;
	[tilespmem:$0x16940] =	vst v63  }
0x79: {  	_ =	swait.ge [sflag:s28], $0x1F40  }
0x7a: {  	[sflag:s28] =	ssyncset.done $0x0  }
.Ltmp1:
0x7b: {  	s16 =	sadd.s32 $0x2980, s0;
	[sflag:s28] =	ssyncadd.s32 $0xFFFFE0C0;
	(pc) =	sbr.rel @p0 .LBB2_4-.Ltmp1, $4  }
0x7c: {  	[spmem:s2] =	stream.indirect.scatter.add.f32 [tilespmem:s23], [sflag:$0x5], $0x40, s16, s17, $0xb8;
	[tilespmem:$0x16940] =	vst v63  }
0x7d: {  	_ =	swait.ge [sflag:s15], $0x1F40  }
0x7e: {  	[sflag:s15] =	ssyncset.done $0x0  }
0x7f: {  	s0 =	sadd.s32 $0x380, s0;
	[sflag:s15] =	ssyncadd.s32 $0xFFFFE0C0  }
0x80: {  	[tilespmem:s23], [sflag:$0x4] =	stream.indirect.gather [hbm4b:s4+s17], $0x40, s0, s17, $0xb8;
	[tilespmem:$0x16940] =	vst v63  }
0x81: {  	_ =	swait.ge [sflag:s24], $0x1F40  }
0x82: {  	[sflag:s24] =	ssyncset.done $0x0  }
0x83: {  	s16 =	simm.s32 $0x4C00;
	[sflag:s24] =	ssyncadd.s32 $0xFFFFE0C0  }
0x84: {  	[spmem:s2] =	stream.indirect.scatter.add.f32 [tilespmem:s14], [sflag:$0x5], $0x40, s16, s17, $0xb8;
	[tilespmem:$0x16940] =	vst v63  }
0x85: {  	_ =	swait.ge [sflag:s15], $0x1F40  }
0x86: {  	[sflag:s15] =	ssyncset.done $0x0  }
0x87: {  	s1 =	simm.s32 $0x2600;
	[sflag:s15] =	ssyncadd.s32 $0xFFFFE0C0  }
0x88: {  	[tilespmem:s14], [sflag:$0x1] =	stream.indirect.gather [hbm4b:s4+s17], $0x40, s1, s17, $0xb8;
	[tilespmem:$0x16940] =	vst v63  }
0x89: {  	_ =	swait.ge [sflag:s25], $0x1F40  }
0x8a: {  	[sflag:s25] =	ssyncset.done $0x0  }
0x8b: {  	s16 =	simm.s32 $0x4C80;
	[sflag:s25] =	ssyncadd.s32 $0xFFFFE0C0  }
0x8c: {  	[spmem:s2] =	stream.indirect.scatter.add.f32 [tilespmem:s19], [sflag:$0x5], $0x40, s16, s17, $0xb8;
	[tilespmem:$0x16940] =	vst v63  }
0x8d: {  	_ =	swait.ge [sflag:s15], $0x1F40  }
0x8e: {  	[sflag:s15] =	ssyncset.done $0x0  }
0x8f: {  	s1 =	simm.s32 $0x2680;
	[sflag:s15] =	ssyncadd.s32 $0xFFFFE0C0  }
0x90: {  	[tilespmem:s19], [sflag:$0x2] =	stream.indirect.gather [hbm4b:s4+s17], $0x40, s1, s17, $0xb8;
	[tilespmem:$0x16940] =	vst v63  }
0x91: {  	_ =	swait.ge [sflag:s26], $0x1F40  }
0x92: {  	[sflag:s26] =	ssyncset.done $0x0  }
0x93: {  	s16 =	simm.s32 $0x4D00;
	[sflag:s26] =	ssyncadd.s32 $0xFFFFE0C0  }
0x94: {  	[spmem:s2] =	stream.indirect.scatter.add.f32 [tilespmem:s21], [sflag:$0x5], $0x40, s16, s17, $0xb8;
	[tilespmem:$0x16940] =	vst v63  }
0x95: {  	_ =	swait.ge [sflag:s15], $0x1F40  }
0x96: {  	[sflag:s15] =	ssyncset.done $0x0  }
0x97: {  	s1 =	simm.s32 $0x2700;
	[sflag:s15] =	ssyncadd.s32 $0xFFFFE0C0  }
0x98: {  	[tilespmem:s21], [sflag:$0x3] =	stream.indirect.gather [hbm4b:s4+s17], $0x40, s1, s17, $0xb8;
	[tilespmem:$0x16940] =	vst v63  }
0x99: {  	_ =	swait.ge [sflag:s28], $0x1F40  }
0x9a: {  	[sflag:s28] =	ssyncset.done $0x0  }
0x9b: {  	[sflag:s28] =	ssyncadd.s32 $0xFFFFE0C0  }
0x9c: {  	[spmem:s2] =	stream.indirect.scatter.add.f32 [tilespmem:s23], [sflag:$0x5], $0x40, s18, s17, $0xb8;
	[tilespmem:$0x16940] =	vst v63  }
0x9d: {  	_ =	swait.ge [sflag:s15], $0x1F40  }
0x9e: {  	[sflag:s15] =	ssyncset.done $0x0  }
0x9f: {  	[sflag:s15] =	ssyncadd.s32 $0xFFFFE0C0  }
0xa0: {  	[tilespmem:s23], [sflag:$0x4] =	stream.indirect.gather [hbm4b:s4+s17], $0x40, s20, s17, $0xb8;
	[tilespmem:$0x16940] =	vst v63  }
0xa1: {  	_ =	swait.ge [sflag:s24], $0x1F40  }
0xa2: {  	[sflag:s24] =	ssyncset.done $0x0  }
0xa3: {  	[sflag:s24] =	ssyncadd.s32 $0xFFFFE0C0  }
0xa4: {  	[spmem:s2] =	stream.indirect.scatter.add.f32 [tilespmem:s14], [sflag:$0x5], $0x40, s22, s17, $0xb8;
	[tilespmem:$0x16940] =	vst v63  }
0xa5: {  	_ =	swait.ge [sflag:s15], $0x1F40  }
0xa6: {  	[sflag:s15] =	ssyncset.done $0x0  }
0xa7: {  	[sflag:s15] =	ssyncadd.s32 $0xFFFFE0C0  }
0xa8: {  	[tilespmem:s14], [sflag:$0x1] =	stream.indirect.gather [hbm4b:s4+s17], $0x40, s20, s17, $0xb8;
	[tilespmem:$0x16940] =	vst v63  }
0xa9: {  	_ =	swait.ge [sflag:s25], $0x1F40  }
0xaa: {  	[sflag:s25] =	ssyncset.done $0x0  }
0xab: {  	[sflag:s25] =	ssyncadd.s32 $0xFFFFE0C0  }
0xac: {  	[spmem:s2] =	stream.indirect.scatter.add.f32 [tilespmem:s19], [sflag:$0x5], $0x40, s29, s17, $0xb8;
	[tilespmem:$0x16940] =	vst v63  }
0xad: {  	_ =	swait.ge [sflag:s15], $0x1F40  }
0xae: {  	[sflag:s15] =	ssyncset.done $0x0  }
0xaf: {  	[sflag:s15] =	ssyncadd.s32 $0xFFFFE0C0  }
0xb0: {  	[tilespmem:s19], [sflag:$0x2] =	stream.indirect.gather [hbm4b:s4+s17], $0x40, s20, s17, $0xb8;
	[tilespmem:$0x16940] =	vst v63  }
0xb1: {  	_ =	swait.ge [sflag:s26], $0x1F40  }
0xb2: {  	[sflag:s26] =	ssyncset.done $0x0  }
0xb3: {  	[sflag:s26] =	ssyncadd.s32 $0xFFFFE0C0  }
0xb4: {  	[spmem:s2] =	stream.indirect.scatter.add.f32 [tilespmem:s21], [sflag:$0x5], $0x40, s30, s17, $0xb8;
	[tilespmem:$0x16940] =	vst v63  }
0xb5: {  	_ =	swait.ge [sflag:s15], $0x1F40  }
0xb6: {  	[sflag:s15] =	ssyncset.done $0x0  }
0xb7: {  	[sflag:s15] =	ssyncadd.s32 $0xFFFFE0C0  }
0xb8: {  	[tilespmem:s21], [sflag:$0x3] =	stream.indirect.gather [hbm4b:s4+s17], $0x40, s20, s17, $0xb8;
	[tilespmem:$0x16940] =	vst v63  }
0xb9: {  	_ =	swait.ge [sflag:s28], $0x1F40  }
0xba: {  	[sflag:s28] =	ssyncset.done $0x0  }
0xbb: {  	[sflag:s28] =	ssyncadd.s32 $0xFFFFE0C0  }
0xbc: {  	[spmem:s2] =	stream.indirect.scatter.add.f32 [tilespmem:s23], [sflag:$0x5], $0x40, s31, s17, $0xb8;
	[tilespmem:$0x16940] =	vst v63  }
0xbd: {  	_ =	swait.ge [sflag:s15], $0x1F40  }
0xbe: {  	[sflag:s15] =	ssyncset.done $0x0  }
0xbf: {  	[sflag:s15] =	ssyncadd.s32 $0xFFFFE0C0  }
0xc0: {  	[tilespmem:s23], [sflag:$0x4] =	stream.indirect.gather [hbm4b:s4+s17], $0x40, s20, s17, $0xb8;
	[tilespmem:$0x16940] =	vst v63  }
0xc1: {  	_ =	swait.ge [sflag:s24], $0x1F40  }
0xc2: {  	[sflag:s24] =	ssyncset.done $0x0  }
0xc3: {  	[sflag:s24] =	ssyncadd.s32 $0xFFFFE0C0  }
0xc4: {  	_ =	swait.ge [sflag:s25], $0x1F40  }
0xc5: {  	[sflag:s25] =	ssyncset.done $0x0  }
0xc6: {  	[sflag:s25] =	ssyncadd.s32 $0xFFFFE0C0  }
0xc7: {  	_ =	swait.ge [sflag:s26], $0x1F40  }
0xc8: {  	[sflag:s26] =	ssyncset.done $0x0  }
0xc9: {  	[sflag:s26] =	ssyncadd.s32 $0xFFFFE0C0  }
0xca: {  	s16 =	stileid.u32;
	_ =	swait.ge [sflag:s28], $0x1F40  }
0xcb: {  	s3 =	sadd.s32 $0x1, s3;
	s0 =	sshll.u32 s16, $0x6;
	[sflag:s28] =	ssyncset.done $0x0  }
0xcc: {  	p0 =	sne.s32 s3, s13;
	s0 =	sor.u32 $0x1C05, s0;
	[sflag:s28] =	ssyncadd.s32 $0xFFFFE0C0  }
.Ltmp2:
0xcd: {  	s1 =	sshrl.u32 s5, $0x3;
	[bflag:$0x0] =	sbarrier.arrive $0xFFFF;
	(pc) =	sbr.rel @p0 .LBB2_1-.Ltmp2, $4  }
0xce: {  	[hbm:s12], [sflag:s0] =	dma.local [spmem:s1], $0x1388  }
0xcf: {  	_ =	swait.ge [sflag:s15], $0x1388  }
0xd0: {  	[sflag:s15] =	ssyncset.done $0x0  }
0xd1: {  	[sflag:s15] =	ssyncadd.s32 $0xFFFFEC78  }
0xd2: {  	_ =	sfence.sel $0x180000  }
0xd3: {  	[bflag:$0x0] =	sbarrier.arrive $0xFFFF  }
0xd4: {  	_ =	strace $0x9000004A  }
0xd5: {  	s0 =	stileid.u32;
	[bflag:$0x2] =	sbarrier.arrive $0xFFFF  }
0xd6: {  	p0 =	sne.s32 s0, $0x0;
	s0 =	rddreg [dreg:$0x2]  }
0xd7: {  	s0 =	sadd.s32 @!p0 $0x100000, s0  }
0xd8: {  	[sflag:s0] =	ssyncadd.tile.s32 @!p0 $0x1;
	_ =	shalt  }
.Lfunc_end2:
_tile_overlayer_lowered:
.L_overlay_start_2:
0xd9: {  	(tag) =	ssettag $0x2  }
0xda: {  	s0 =	rddreg [dreg:$0x0];
	s2 =	stileid.u32  }
0xdb: {  	s1 =	rddreg [dreg:$0x1];
	p0 =	sne.s32 s2, $0x0  }
0xdc: {  	s3 =	rddreg [dreg:$0x2];
	[bflag:$0x3] =	sbarrier.arrive $0xFFFF;
	s2 =	simm.s32 @!p0 $0x1C05  }
0xdd: {  	[timem:s3], [sflag:s2] =	dma.local @!p0 [hbm:s0], s1  }
0xde: {  	s0 =	simm.s32 @!p0 $0x5  }
0xdf: {  	_ =	swait.ge @!p0 [sflag:s0], s1  }
0xe0: {  	s1 =	ssub.s32 @!p0 $0x0, s1;
	[sflag:s0] =	ssyncset.done @!p0 $0x0  }
0xe1: {  	[sflag:s0] =	ssyncadd.s32 @!p0 s1  }
0xe2: {  	[bflag:$0x3] =	sbarrier.arrive $0xFFFF  }
0xe3: {  	_ =	shalt  }

// kernel: kernel.7.cloned.1.call-start
scs
__scs_entry_jumppad:
0x0: {  	(pc) =	sbr.rel $0x88, $3  }
0x1: {  	(tag) =	ssettag $0x0;
	lr =	simm.s32 $0x1  }
0x2: {  	[smem:$0x3F94] =	sst lr;
	_ =	strace $0xD0000000  }
0x3: {  	_ = 	snop  }
0x4: {  	_ = 	snop  }
0x5: {  	_ = 	snop  }
0x6: {  	_ = 	snop  }
0x7: {  	_ = 	snop  }
__scs_overlays_trampoline_lowered:
0x8: {  	[smem:$0x3FA3] =	sst s0  }
0x9: {  	[smem:$0x3FA4] =	sst s1  }
0xa: {  	[smem:$0x3FA5] =	sst s2  }
0xb: {  	[smem:$0x3FA6] =	sst s3  }
0xc: {  	[smem:$0x3FA7] =	sst s4  }
0xd: {  	[smem:$0x3FA8] =	sst s5  }
0xe: {  	[smem:$0x3FA9] =	sst s6  }
0xf: {  	[smem:$0x3FAA] =	sst s7  }
0x10: {  	[smem:$0x3FAB] =	sst s8  }
0x11: {  	[smem:$0x3FAC] =	sst s9;
	s0 =	simm.s32 @!p0 $0x0  }
0x12: {  	s1 =	sld [smem:$0x3F92];
	s0 =	simm.s32 @p0 $0x1  }
0x13: {  	[smem:$0x3FAD] =	sst s0;
	s0 =	simm.s32 @!p1 $0x0  }
0x14: {  	s2 =	sld [smem:$0x3F91];
	s0 =	simm.s32 @p1 $0x1  }
0x15: {  	[smem:$0x3FAE] =	sst s0;
	s0 =	simm.s32 @!p2 $0x0  }
0x16: {  	s3 =	sld [smem:$0x3FDB];
	s0 =	simm.s32 @p2 $0x1  }
0x17: {  	s4 =	simm.s32 $0x1BF5;
	[smem:$0x3FB0] =	sst s0  }
0x18: {  	s0 =	sld [smem:$0x3F93];
	_ =	swait.ge [sflag:s4], $0x0  }
0x19: {  	s7 =	sld [smem:$0x3F94]  }
0x1a: {  	s8 =	sadd.s32 $0xFFFFE003, lr  }
0x1b: {  	s9 =	sadd.s32 $0xFFFFFEF7, lr;
	s5 =	simm.s32 $0xFFFFFFFF;
	p2 =	slt.u32 s8, $0xFFFFF086  }
0x1c: {  	p1 =	slt.u32 s9, $0xF7A;
	s5 =	simm.s32 @!p2 $0x0  }
0x1d: {  	s5 =	simm.s32 @p1 $0x1;
	p0 =	seq.s32 s7, s2  }
0x1e: {  	s7 =	smul.u32 @!p0 $0xF7A, s2;
	p2 =	seq.s32 @!p0 s5, $0x0  }
0x1f: {  	s9 =	smul.u32 $0xF7A, s1;
	s8 =	simm.s32 @!p0 $0x1BF5;
	p2 =	por !p2, p0  }
0x20: {  	[sflag:s8] =	ssyncset.s32 @!p0 $0xFFFFF086;
	s6 =	sadd.s32 @!p0 s3, s7;
	s7 =	simm.s32 @!p0 $0x108  }
0x21: {  	s3 =	sadd.s32 s3, s9;
	s6 =	sadd.s32 @!p0 $0x88, s6;
	s7 =	simm.s32 @p2 $0x1082  }
0x22: {  	[simem:s7], [sflag:s8] =	dma.local @!p0 [hbm:s6], $0xF7A  }
0x23: {  	s9 =	sor.u32 $0xD0000000, s2;
	s6 =	simm.s32 $0x108;
	_ =	swait.ge @!p0 [sflag:s8], $0x0  }
0x24: {  	s3 =	sadd.s32 $0x88, s3;
	s6 =	simm.s32 @!p1 $0x1082;
	[sflag:s4] =	ssyncset.s32 $0xFFFFF086  }
0x25: {  	[simem:s6], [sflag:s4] =	dma.local [hbm:s3], $0xF7A  }
0x26: {  	[smem:$0x3F94] =	sst s1;
	(tag) =	ssettag s2;
	_ =	strace s9  }
0x27: {  	s1 =	sld [smem:$0x3FA4]  }
0x28: {  	s2 =	sld [smem:$0x3FA5]  }
0x29: {  	s4 =	sld [smem:$0x3FA7]  }
0x2a: {  	p0 =	seq.s32 s5, $0x0;
	s5 =	sld [smem:$0x3FA8]  }
0x2b: {  	s6 =	sld [smem:$0x3FA9]  }
0x2c: {  	s7 =	sld [smem:$0x3FAA]  }
0x2d: {  	s3 =	simm.s32 $0x108;
	s8 =	sld [smem:$0x3FAB]  }
0x2e: {  	s3 =	simm.s32 @!p0 $0x1082;
	s9 =	sld [smem:$0x3FAC]  }
0x2f: {  	lr =	sadd.s32 s0, s3;
	s0 =	sld [smem:$0x3FA3]  }
0x30: {  	s3 =	sld [smem:$0x3FA6]  }
0x31: {  	[smem:$0x3FAF] =	sst s10  }
0x32: {  	s10 =	sld [smem:$0x3FAD];
	_ =	sdelay $0x3  }
0x33: {  	p0 =	seq.s32 s10, $0x1;
	s10 =	sld [smem:$0x3FAF];
	_ =	sdelay $0x3  }
0x34: {  	[smem:$0x3FAF] =	sst s10  }
0x35: {  	s10 =	sld [smem:$0x3FAE];
	_ =	sdelay $0x3  }
0x36: {  	p1 =	seq.s32 s10, $0x1;
	s10 =	sld [smem:$0x3FAF];
	_ =	sdelay $0x3  }
0x37: {  	[smem:$0x3FAF] =	sst s10  }
0x38: {  	s10 =	sld [smem:$0x3FB0]  }
0x39: {  	_ = 	snop;
	(pc) =	sbr.ind lr, $3  }
0x3a: {  	_ = 	snop  }
0x3b: {  	_ = 	snop  }
0x3c: {  	p2 =	seq.s32 s10, $0x1;
	s10 =	sld [smem:$0x3FAF]  }
0x3d: {  	_ =	shalt  }
0x3e: {  	_ =	shalt  }
0x3f: {  	_ =	shalt  }
0x40: {  	_ =	shalt  }
0x41: {  	_ =	shalt  }
0x42: {  	_ =	shalt  }
0x43: {  	_ =	shalt  }
0x44: {  	_ =	shalt  }
0x45: {  	_ =	shalt  }
0x46: {  	_ =	shalt  }
0x47: {  	_ =	shalt  }
0x48: {  	_ =	shalt  }
0x49: {  	_ =	shalt  }
0x4a: {  	_ =	shalt  }
0x4b: {  	_ =	shalt  }
0x4c: {  	_ =	shalt  }
0x4d: {  	_ =	shalt  }
0x4e: {  	_ =	shalt  }
0x4f: {  	_ =	shalt  }
0x50: {  	_ =	shalt  }
0x51: {  	_ =	shalt  }
0x52: {  	_ =	shalt  }
0x53: {  	_ =	shalt  }
0x54: {  	_ =	shalt  }
0x55: {  	_ =	shalt  }
0x56: {  	_ =	shalt  }
0x57: {  	_ =	shalt  }
0x58: {  	_ =	shalt  }
0x59: {  	_ =	shalt  }
0x5a: {  	_ =	shalt  }
0x5b: {  	_ =	shalt  }
0x5c: {  	_ =	shalt  }
0x5d: {  	_ =	shalt  }
0x5e: {  	_ =	shalt  }
0x5f: {  	_ =	shalt  }
0x60: {  	_ =	shalt  }
0x61: {  	_ =	shalt  }
0x62: {  	_ =	shalt  }
0x63: {  	_ =	shalt  }
0x64: {  	_ =	shalt  }
0x65: {  	_ =	shalt  }
0x66: {  	_ =	shalt  }
0x67: {  	_ =	shalt  }
0x68: {  	_ =	shalt  }
0x69: {  	_ =	shalt  }
0x6a: {  	_ =	shalt  }
0x6b: {  	_ =	shalt  }
0x6c: {  	_ =	shalt  }
0x6d: {  	_ =	shalt  }
0x6e: {  	_ =	shalt  }
0x6f: {  	_ =	shalt  }
0x70: {  	_ =	shalt  }
0x71: {  	_ =	shalt  }
0x72: {  	_ =	shalt  }
0x73: {  	_ =	shalt  }
0x74: {  	_ =	shalt  }
0x75: {  	_ =	shalt  }
0x76: {  	_ =	shalt  }
0x77: {  	_ =	shalt  }
0x78: {  	_ =	shalt  }
0x79: {  	_ =	shalt  }
0x7a: {  	_ =	shalt  }
0x7b: {  	_ =	shalt  }
0x7c: {  	_ =	shalt  }
0x7d: {  	_ =	shalt  }
0x7e: {  	_ =	shalt  }
0x7f: {  	_ =	shalt  }
0x80: {  	_ =	shalt  }
0x81: {  	_ =	shalt  }
0x82: {  	_ =	shalt  }
0x83: {  	_ =	shalt  }
0x84: {  	_ =	shalt  }
0x85: {  	_ =	shalt  }
0x86: {  	_ =	shalt  }
0x87: {  	_ =	shalt  }
.Lfunc_end0:
.L_simem_size_0:
called_computation_lowered:
.L_overlay_start_0:
0x88: {  	s2 =	sld [smem:$0x3FD9]  }
0x89: {  	s3 =	sld [smem:$0x3FFE];
	_ =	sdelay $0x1  }
0x8a: {  	s1 =	srdreg.scid  }
0x8b: {  	s0 =	sand.u32 $0x1, s1  }
0x8c: {  	s16 =	sshll.u32 s0, $0xA;
	s2 =	sadd.s32 s3, s2  }
0x8d: {  	s2 =	sadd.s32 s2, s16  }
0x8e: {  	[smem:$0x3FBB] =	sst s2  }
0x8f: {  	_ = 	snop  }
0x90: {  	(tm) =	ssettm $0x1  }
0x91: {  	s17 =	sld [smem:$0x3FFB];
	_ =	sdelay $0x3  }
0x92: {  	_ =	strace s17  }
0x93: {  	s2 =	sld [smem:$0x3FFC];
	_ =	sdelay $0x3  }
0x94: {  	_ =	strace s2  }
0x95: {  	s2 =	sld [smem:$0x3FFD];
	_ =	sdelay $0x3  }
0x96: {  	_ =	strace s2  }
0x97: {  	_ =	strace $0x8FFFFFFF  }
0x98: {  	s18 =	sld [smem:$0x3FDB];
	_ =	sdelay $0x1  }
0x99: {  	s19 =	simm.s32 $_scs_section_size  }
0x9a: {  	s4 =	simm.s32 $_size__tile_overlayer_lowered;
	s5 =	simm.s32 $_tile_overlayer_lowered  }
0x9b: {  	s22 =	simm.s32 $0x1BFF;
	s21 =	sshll.u32 s5, $0x1;
	s2 =	sadd.s32 s19, s18  }
0x9c: {  	s6 =	simm.s32 $0x0;
	s20 =	sshll.u32 s4, $0x1;
	s4 =	sadd.s32 s21, s2  }
0x9d: {  	[timem:s6], [sflag:s22] =	dma.local [hbm:s4], s20  }
0x9e: {  	_ =	swait.ge [sflag:s22], s20  }
0x9f: {  	s3 =	ssub.s32 $0x0, s20;
	[sflag:s22] =	ssyncset.done $0x0  }
0xa0: {  	[sflag:s22] =	ssyncadd.s32 s3;
	_ =	sdelay $0x1  }
0xa1: {  	s23 =	simm.s32 $0x1B8B  }
0xa2: {  	_ =	swait.ge [sflag:s23], $0x1  }
0xa3: {  	[sflag:s23] =	ssyncset.done $0x0  }
0xa4: {  	s25 =	simm.s32 $0x1B8E;
	s24 =	sld [smem:$0x3FFE];
	[sflag:s23] =	ssyncadd.s32 $0xFFFFFFFF  }
0xa5: {  	s26 =	simm.s32 $execute0_lowered;
	[smem:$0x3FD2] =	sst s25  }
0xa6: {  	s4 =	sshll.u32 s26, $0x1;
	_ =	strace $0x80000046;
	[dreg:$0x1] =	wrdreg $0xFFFFFFFF  }
0xa7: {  	s28 =	simm.s32 $_size_execute0_lowered;
	s2 =	sadd.s32 s2, s4;
	[dreg:$0x0] =	wrdreg $0x0  }
0xa8: {  	s4 =	sshll.u32 s28, $0x1;
	[dreg:$0x2] =	wrdreg s2  }
0xa9: {  	[dreg:$0x3] =	wrdreg s4  }
0xaa: {  	[dreg:$0x4] =	wrdreg $0xC0  }
0xab: {  	_ =	task [dreg:s6], $0x5FFFF  }
0xac: {  	[dreg:$0x1] =	wrdreg $0xFFFFFFFF  }
0xad: {  	[dreg:$0x0] =	wrdreg $0x60  }
0xae: {  	[dreg:$0x2] =	wrdreg s24  }
0xaf: {  	[dreg:$0x3] =	wrdreg $0xCD000  }
0xb0: {  	[dreg:$0x4] =	wrdreg $0x9  }
0xb1: {  	_ =	task.clear_ibuf [dreg:s6], $0x5FFFF;
	_ =	strace $0x90000046  }
0xb2: {  	s29 =	simm.s32 $0x9;
	_ =	strace $0x80000048  }
0xb3: {  	_ =	swait.ge [sflag:s29], $0x1  }
0xb4: {  	[sflag:s29] =	ssyncadd.s32 $0xFFFFFFFF  }
0xb5: {  	_ =	strace $0x90000048  }
0xb6: {  	_ =	sfence  }
0xb7: {  	s30 =	sld [smem:$0x0];
	_ =	sdelay $0x2  }
0xb8: {  	s31 =	sshll.u32 s1, $0xD;
	s1 =	sshrl.u32 s1, $0x2  }
0xb9: {  	s3 =	sand.u32 $0x4000, s31;
	s1 =	sadd.s32 s1, s30  }
0xba: {  	s0 =	sor.u32 s3, s0;
	s1 =	sshll.u32 s1, $0x11  }
0xbb: {  	s0 =	sor.u32 s1, s0  }
0xbc: {  	s0 =	sadd.s32 $0x8F2B, s0  }
0xbd: {  	[sflag:s0] =	ssyncadd.remote.s32 $0x1  }
0xbe: {  	_ =	sfence.sel $0xFFFF  }
0xbf: {  	[dreg:$0x0] =	wrdreg $0xFFFFFFFF;
	(pc) =	sbr.abs _section_cstart, $3  }
0xc0: {  	[dreg:$0x1] =	wrdreg $0xFFFFFFFF  }
0xc1: {  	_ =	task.clear_ibuf [dreg:s6], $0x2FFFF;
	_ =	strace $0x9FFFFFFF  }
0xc2: {  	(tm) =	ssettm $0x7FFFFFFF  }
0xc3: {  	_ =	shalt  }
tec
execute0_lowered:
.L_overlay_start_1:
0x0: {  	(tag) =	ssettag $0x1  }
0x1: {  	s0 =	srdreg.scid;
	s5 =	rddreg [dreg:$0x0]  }
0x2: {  	s4 =	stileid.u32;
	s2 =	rddreg [dreg:$0x1];
	s3 =	simm.s32 $0x0  }
0x3: {  	s14 =	simm.s32 $0x5000;
	s15 =	simm.s32 $0x5;
	s17 =	simm.s32 $0x7D  }
0x4: {  	s19 =	simm.s32 $0x6F40;
	s21 =	simm.s32 $0x8E80;
	s23 =	simm.s32 $0xADC0  }
0x5: {  	s24 =	simm.s32 $0x1;
	s25 =	simm.s32 $0x2;
	s28 =	simm.s32 $0x4  }
0x6: {  	s18 =	simm.s32 $0x4D80;
	s20 =	simm.s32 $0x2780;
	s22 =	simm.s32 $0x4E00  }
0x7: {  	s29 =	simm.s32 $0x4E80;
	s30 =	simm.s32 $0x4F00;
	s6 =	smul.u32 $0x9C40, s4  }
0x8: {  	s31 =	simm.s32 $0x4F80;
	s0 =	sand.u32 $0x1, s0;
	s8 =	smul.u32 $0x27100, s4  }
0x9: {  	[smem:$0x7FF] =	sst s3;
	s1 =	sshll.u32 s0, $0x4;
	s7 =	smul.u32 $0x9C400, s0  }
0xa: {  	_ =	strace $0x80000047;
	s0 =	ssub.s32 $0x2, s0;
	s1 =	sor.u32 s4, s1  }
0xb: {  	s4 =	sadd.s32 $0x17800, s5;
	s8 =	sshrl.u32 s8, $0x2;
	s26 =	sshrl.u32 s0, $0x1  }
0xc: {  	s1 =	smul.u32 $0x2800, s1;
	s7 =	sadd.s32 s6, s7;
	s9 =	sadd.s32 s8, s2  }
0xd: {  	s0 =	ssub.s32 s0, s26;
	s26 =	simm.s32 $0x3;
	s7 =	sshrl.u32 s7, $0x3  }
0xe: {  	s8 =	sadd.s32 $0x5DC0, s9;
	s13 =	smax.u32 s0, $0x1;
	s1 =	sshrl.u32 s1, $0x3  }
0xf: {  	s12 =	sadd.s32 s7, s5;
	s7 =	sadd.s32 $0x3E80, s9;
	s1 =	sadd.s32 s1, s5  }
0x10: {  	s5 =	sadd.s32 s6, s2;
	s6 =	sadd.s32 $0x1F40, s9;
	s9 =	sadd.s32 $0x7D00, s9  }
0x11: {  	v0 =	vimm.f32 $0.0e+00;
	s12 =	sadd.s32 $0x2B200, s12;
	s10 =	sadd.s32 $0x3800, s1;
	s11 =	sadd.s32 $0xD800, s1  }
.LBB2_1:
0x12: {  	s1 =	simm.s32 $0x100;
	s0 =	simm.s32 $0x0  }
.LBB2_2:
0x13: {  	p0 =	sne.s32 s1, $0x7C00;
	[tilespmem:s0+$0x5030] =	vst v0;
	s16 =	smov.u32 s1;
	s1 =	sadd.s32 $0x100, s1  }
.Ltmp0:
0x14: {  	[tilespmem:s0+$0x5020] =	vst v0;
	(pc) =	sbr.rel @p0 .LBB2_2-.Ltmp0, $3  }
0x15: {  	[tilespmem:s0+$0x5000] =	vst v0  }
0x16: {  	[tilespmem:s0+$0x5010] =	vst v0;
	_ =	sdelay $0x1  }
0x17: {  	s0 =	sshra.s32 s16, $0x2  }
0x18: {  	[tilespmem:s0+$0x5030] =	vst v0  }
0x19: {  	[tilespmem:s0+$0x5020] =	vst v0  }
0x1a: {  	[tilespmem:s0+$0x5000] =	vst v0  }
0x1b: {  	[tilespmem:s0+$0x5010] =	vst v0  }
0x1c: {  	[spmem:s5] =	stream.linear.scatter [tilespmem:s14], [sflag:$0x5], $0x1F40, $0x38;
	[tilespmem:$0x16940] =	vst v63  }
0x1d: {  	_ =	swait.ge [sflag:s15], $0x1F40  }
0x1e: {  	[sflag:s15] =	ssyncset.done $0x0  }
0x1f: {  	[sflag:s15] =	ssyncadd.s32 $0xFFFFE0C0  }
0x20: {  	[spmem:s6] =	stream.linear.scatter [tilespmem:s14], [sflag:$0x5], $0x1F40, $0x38;
	[tilespmem:$0x16940] =	vst v63  }
0x21: {  	_ =	swait.ge [sflag:s15], $0x1F40  }
0x22: {  	[sflag:s15] =	ssyncset.done $0x0  }
0x23: {  	[sflag:s15] =	ssyncadd.s32 $0xFFFFE0C0  }
0x24: {  	[spmem:s7] =	stream.linear.scatter [tilespmem:s14], [sflag:$0x5], $0x1F40, $0x38;
	[tilespmem:$0x16940] =	vst v63  }
0x25: {  	_ =	swait.ge [sflag:s15], $0x1F40  }
0x26: {  	[sflag:s15] =	ssyncset.done $0x0  }
0x27: {  	[sflag:s15] =	ssyncadd.s32 $0xFFFFE0C0  }
0x28: {  	[spmem:s8] =	stream.linear.scatter [tilespmem:s14], [sflag:$0x5], $0x1F40, $0x38;
	[tilespmem:$0x16940] =	vst v63  }
0x29: {  	_ =	swait.ge [sflag:s15], $0x1F40  }
0x2a: {  	[sflag:s15] =	ssyncset.done $0x0  }
0x2b: {  	[sflag:s15] =	ssyncadd.s32 $0xFFFFE0C0  }
0x2c: {  	[spmem:s9] =	stream.linear.scatter [tilespmem:s14], [sflag:$0x5], $0x1F40, $0x38;
	[tilespmem:$0x16940] =	vst v63  }
0x2d: {  	_ =	swait.ge [sflag:s15], $0x1F40  }
0x2e: {  	[sflag:s15] =	ssyncset.done $0x0  }
0x2f: {  	s16 =	simm.s32 $0x0;
	[sflag:s15] =	ssyncadd.s32 $0xFFFFE0C0  }
0x30: {  	[tilespmem:s16], [sflag:$0x5] =	stream.linear.gather [hbm4b:s10+s16], $0x2800, $0x38;
	[tilespmem:$0x16940] =	vst v63  }
0x31: {  	_ =	swait.ge [sflag:s15], $0x2800  }
0x32: {  	[sflag:s15] =	ssyncset.done $0x0  }
0x33: {  	s1 =	simm.s32 $0x2800;
	[sflag:s15] =	ssyncadd.s32 $0xFFFFD800  }
0x34: {  	[tilespmem:s1], [sflag:$0x5] =	stream.linear.gather [hbm4b:s11+s16], $0x2800, $0x38;
	[tilespmem:$0x16940] =	vst v63  }
0x35: {  	_ =	swait.ge [sflag:s15], $0x2800  }
0x36: {  	[sflag:s15] =	ssyncset.done $0x0  }
0x37: {  	[sflag:s15] =	ssyncadd.s32 $0xFFFFD800  }
0x38: {  	[bflag:$0x0] =	sbarrier.arrive $0xFFFF  }
0x39: {  	[tilespmem:s14], [sflag:$0x1] =	stream.indirect.gather [hbm4b:s4+s17], $0x40, s16, s17, $0xb8;
	[tilespmem:$0x16940] =	vst v63  }
0x3a: {  	s1 =	simm.s32 $0x80  }
0x3b: {  	[tilespmem:s19], [sflag:$0x2] =	stream.indirect.gather [hbm4b:s4+s17], $0x40, s1, s17, $0xb8;
	[tilespmem:$0x16940] =	vst v63  }
0x3c: {  	s16 =	simm.s32 $0x100  }
0x3d: {  	[tilespmem:s21], [sflag:$0x3] =	stream.indirect.gather [hbm4b:s4+s17], $0x40, s16, s17, $0xb8;
	[tilespmem:$0x16940] =	vst v63  }
0x3e: {  	s1 =	simm.s32 $0x180  }
0x3f: {  	[tilespmem:s23], [sflag:$0x4] =	stream.indirect.gather [hbm4b:s4+s17], $0x40, s1, s17, $0xb8;
	[tilespmem:$0x16940] =	vst v63  }
0x40: {  	_ =	swait.ge [sflag:s24], $0x1F40  }
0x41: {  	[sflag:s24] =	ssyncset.done $0x0  }
0x42: {  	s16 =	simm.s32 $0x2800;
	[sflag:s24] =	ssyncadd.s32 $0xFFFFE0C0  }
0x43: {  	[spmem:s2] =	stream.indirect.scatter.add.f32 [tilespmem:s14], [sflag:$0x5], $0x40, s16, s17, $0xb8;
	[tilespmem:$0x16940] =	vst v63  }
0x44: {  	_ =	swait.ge [sflag:s15], $0x1F40  }
0x45: {  	[sflag:s15] =	ssyncset.done $0x0  }
0x46: {  	s1 =	simm.s32 $0x200;
	[sflag:s15] =	ssyncadd.s32 $0xFFFFE0C0  }
0x47: {  	[tilespmem:s14], [sflag:$0x1] =	stream.indirect.gather [hbm4b:s4+s17], $0x40, s1, s17, $0xb8;
	[tilespmem:$0x16940] =	vst v63  }
0x48: {  	_ =	swait.ge [sflag:s25], $0x1F40  }
0x49: {  	[sflag:s25] =	ssyncset.done $0x0  }
0x4a: {  	s16 =	simm.s32 $0x2880;
	[sflag:s25] =	ssyncadd.s32 $0xFFFFE0C0  }
0x4b: {  	[spmem:s2] =	stream.indirect.scatter.add.f32 [tilespmem:s19], [sflag:$0x5], $0x40, s16, s17, $0xb8;
	[tilespmem:$0x16940] =	vst v63  }
0x4c: {  	_ =	swait.ge [sflag:s15], $0x1F40  }
0x4d: {  	[sflag:s15] =	ssyncset.done $0x0  }
0x4e: {  	s1 =	simm.s32 $0x280;
	[sflag:s15] =	ssyncadd.s32 $0xFFFFE0C0  }
0x4f: {  	[tilespmem:s19], [sflag:$0x2] =	stream.indirect.gather [hbm4b:s4+s17], $0x40, s1, s17, $0xb8;
	[tilespmem:$0x16940] =	vst v63  }
0x50: {  	_ =	swait.ge [sflag:s26], $0x1F40  }
0x51: {  	[sflag:s26] =	ssyncset.done $0x0  }
0x52: {  	s16 =	simm.s32 $0x2900;
	[sflag:s26] =	ssyncadd.s32 $0xFFFFE0C0  }
0x53: {  	[spmem:s2] =	stream.indirect.scatter.add.f32 [tilespmem:s21], [sflag:$0x5], $0x40, s16, s17, $0xb8;
	[tilespmem:$0x16940] =	vst v63  }
0x54: {  	_ =	swait.ge [sflag:s15], $0x1F40  }
0x55: {  	[sflag:s15] =	ssyncset.done $0x0  }
0x56: {  	s1 =	simm.s32 $0x300;
	[sflag:s15] =	ssyncadd.s32 $0xFFFFE0C0  }
0x57: {  	[tilespmem:s21], [sflag:$0x3] =	stream.indirect.gather [hbm4b:s4+s17], $0x40, s1, s17, $0xb8;
	[tilespmem:$0x16940] =	vst v63  }
0x58: {  	_ =	swait.ge [sflag:s28], $0x1F40  }
0x59: {  	[sflag:s28] =	ssyncset.done $0x0  }
0x5a: {  	s16 =	simm.s32 $0x2980;
	[sflag:s28] =	ssyncadd.s32 $0xFFFFE0C0  }
0x5b: {  	[spmem:s2] =	stream.indirect.scatter.add.f32 [tilespmem:s23], [sflag:$0x5], $0x40, s16, s17, $0xb8;
	[tilespmem:$0x16940] =	vst v63  }
0x5c: {  	_ =	swait.ge [sflag:s15], $0x1F40  }
0x5d: {  	[sflag:s15] =	ssyncset.done $0x0  }
0x5e: {  	s0 =	simm.s32 $0x380;
	s1 =	simm.s32 $0x800;
	[sflag:s15] =	ssyncadd.s32 $0xFFFFE0C0  }
.LBB2_4:
0x5f: {  	[tilespmem:s23], [sflag:$0x4] =	stream.indirect.gather [hbm4b:s4+s17], $0x40, s0, s17, $0xb8;
	[tilespmem:$0x16940] =	vst v63  }
0x60: {  	s0 =	smov.u32 s1  }
0x61: {  	p0 =	sne.s32 s1, $0x8800;
	s1 =	sadd.s32 $0x800, s1;
	_ =	swait.ge [sflag:s24], $0x1F40  }
0x62: {  	s0 =	sshra.s32 s0, $0x2;
	[sflag:s24] =	ssyncset.done $0x0  }
0x63: {  	s16 =	sadd.s32 $0x2800, s0;
	[sflag:s24] =	ssyncadd.s32 $0xFFFFE0C0  }
0x64: {  	[spmem:s2] =	stream.indirect.scatter.add.f32 [tilespmem:s14], [sflag:$0x5], $0x40, s16, s17, $0xb8;
	[tilespmem:$0x16940] =	vst v63  }
0x65: {  	_ =	swait.ge [sflag:s15], $0x1F40  }
0x66: {  	[sflag:s15] =	ssyncset.done $0x0  }
0x67: {  	s16 =	sadd.s32 $0x200, s0;
	[sflag:s15] =	ssyncadd.s32 $0xFFFFE0C0  }
0x68: {  	[tilespmem:s14], [sflag:$0x1] =	stream.indirect.gather [hbm4b:s4+s17], $0x40, s16, s17, $0xb8;
	[tilespmem:$0x16940] =	vst v63  }
0x69: {  	_ =	swait.ge [sflag:s25], $0x1F40  }
0x6a: {  	[sflag:s25] =	ssyncset.done $0x0  }
0x6b: {  	s16 =	sadd.s32 $0x2880, s0;
	[sflag:s25] =	ssyncadd.s32 $0xFFFFE0C0  }
0x6c: {  	[spmem:s2] =	stream.indirect.scatter.add.f32 [tilespmem:s19], [sflag:$0x5], $0x40, s16, s17, $0xb8;
	[tilespmem:$0x16940] =	vst v63  }
0x6d: {  	_ =	swait.ge [sflag:s15], $0x1F40  }
0x6e: {  	[sflag:s15] =	ssyncset.done $0x0  }
0x6f: {  	s16 =	sadd.s32 $0x280, s0;
	[sflag:s15] =	ssyncadd.s32 $0xFFFFE0C0  }
0x70: {  	[tilespmem:s19], [sflag:$0x2] =	stream.indirect.gather [hbm4b:s4+s17], $0x40, s16, s17, $0xb8;
	[tilespmem:$0x16940] =	vst v63  }
0x71: {  	_ =	swait.ge [sflag:s26], $0x1F40  }
0x72: {  	[sflag:s26] =	ssyncset.done $0x0  }
0x73: {  	s16 =	sadd.s32 $0x2900, s0;
	[sflag:s26] =	ssyncadd.s32 $0xFFFFE0C0  }
0x74: {  	[spmem:s2] =	stream.indirect.scatter.add.f32 [tilespmem:s21], [sflag:$0x5], $0x40, s16, s17, $0xb8;
	[tilespmem:$0x16940] =	vst v63  }
0x75: {  	_ =	swait.ge [sflag:s15], $0x1F40  }
0x76: {  	[sflag:s15] =	ssyncset.done $0x0  }
0x77: {  	s16 =	sadd.s32 $0x300, s0;
	[sflag:s15] =	ssyncadd.s32 $0xFFFFE0C0  }
0x78: {  	[tilespmem:s21], [sflag:$0x3] =	stream.indirect.gather [hbm4b:s4+s17], $0x40, s16, s17, $0xb8;
	[tilespmem:$0x16940] =	vst v63  }
0x79: {  	_ =	swait.ge [sflag:s28], $0x1F40  }
0x7a: {  	[sflag:s28] =	ssyncset.done $0x0  }
.Ltmp1:
0x7b: {  	s16 =	sadd.s32 $0x2980, s0;
	[sflag:s28] =	ssyncadd.s32 $0xFFFFE0C0;
	(pc) =	sbr.rel @p0 .LBB2_4-.Ltmp1, $4  }
0x7c: {  	[spmem:s2] =	stream.indirect.scatter.add.f32 [tilespmem:s23], [sflag:$0x5], $0x40, s16, s17, $0xb8;
	[tilespmem:$0x16940] =	vst v63  }
0x7d: {  	_ =	swait.ge [sflag:s15], $0x1F40  }
0x7e: {  	[sflag:s15] =	ssyncset.done $0x0  }
0x7f: {  	s0 =	sadd.s32 $0x380, s0;
	[sflag:s15] =	ssyncadd.s32 $0xFFFFE0C0  }
0x80: {  	[tilespmem:s23], [sflag:$0x4] =	stream.indirect.gather [hbm4b:s4+s17], $0x40, s0, s17, $0xb8;
	[tilespmem:$0x16940] =	vst v63  }
0x81: {  	_ =	swait.ge [sflag:s24], $0x1F40  }
0x82: {  	[sflag:s24] =	ssyncset.done $0x0  }
0x83: {  	s16 =	simm.s32 $0x4C00;
	[sflag:s24] =	ssyncadd.s32 $0xFFFFE0C0  }
0x84: {  	[spmem:s2] =	stream.indirect.scatter.add.f32 [tilespmem:s14], [sflag:$0x5], $0x40, s16, s17, $0xb8;
	[tilespmem:$0x16940] =	vst v63  }
0x85: {  	_ =	swait.ge [sflag:s15], $0x1F40  }
0x86: {  	[sflag:s15] =	ssyncset.done $0x0  }
0x87: {  	s1 =	simm.s32 $0x2600;
	[sflag:s15] =	ssyncadd.s32 $0xFFFFE0C0  }
0x88: {  	[tilespmem:s14], [sflag:$0x1] =	stream.indirect.gather [hbm4b:s4+s17], $0x40, s1, s17, $0xb8;
	[tilespmem:$0x16940] =	vst v63  }
0x89: {  	_ =	swait.ge [sflag:s25], $0x1F40  }
0x8a: {  	[sflag:s25] =	ssyncset.done $0x0  }
0x8b: {  	s16 =	simm.s32 $0x4C80;
	[sflag:s25] =	ssyncadd.s32 $0xFFFFE0C0  }
0x8c: {  	[spmem:s2] =	stream.indirect.scatter.add.f32 [tilespmem:s19], [sflag:$0x5], $0x40, s16, s17, $0xb8;
	[tilespmem:$0x16940] =	vst v63  }
0x8d: {  	_ =	swait.ge [sflag:s15], $0x1F40  }
0x8e: {  	[sflag:s15] =	ssyncset.done $0x0  }
0x8f: {  	s1 =	simm.s32 $0x2680;
	[sflag:s15] =	ssyncadd.s32 $0xFFFFE0C0  }
0x90: {  	[tilespmem:s19], [sflag:$0x2] =	stream.indirect.gather [hbm4b:s4+s17], $0x40, s1, s17, $0xb8;
	[tilespmem:$0x16940] =	vst v63  }
0x91: {  	_ =	swait.ge [sflag:s26], $0x1F40  }
0x92: {  	[sflag:s26] =	ssyncset.done $0x0  }
0x93: {  	s16 =	simm.s32 $0x4D00;
	[sflag:s26] =	ssyncadd.s32 $0xFFFFE0C0  }
0x94: {  	[spmem:s2] =	stream.indirect.scatter.add.f32 [tilespmem:s21], [sflag:$0x5], $0x40, s16, s17, $0xb8;
	[tilespmem:$0x16940] =	vst v63  }
0x95: {  	_ =	swait.ge [sflag:s15], $0x1F40  }
0x96: {  	[sflag:s15] =	ssyncset.done $0x0  }
0x97: {  	s1 =	simm.s32 $0x2700;
	[sflag:s15] =	ssyncadd.s32 $0xFFFFE0C0  }
0x98: {  	[tilespmem:s21], [sflag:$0x3] =	stream.indirect.gather [hbm4b:s4+s17], $0x40, s1, s17, $0xb8;
	[tilespmem:$0x16940] =	vst v63  }
0x99: {  	_ =	swait.ge [sflag:s28], $0x1F40  }
0x9a: {  	[sflag:s28] =	ssyncset.done $0x0  }
0x9b: {  	[sflag:s28] =	ssyncadd.s32 $0xFFFFE0C0  }
0x9c: {  	[spmem:s2] =	stream.indirect.scatter.add.f32 [tilespmem:s23], [sflag:$0x5], $0x40, s18, s17, $0xb8;
	[tilespmem:$0x16940] =	vst v63  }
0x9d: {  	_ =	swait.ge [sflag:s15], $0x1F40  }
0x9e: {  	[sflag:s15] =	ssyncset.done $0x0  }
0x9f: {  	[sflag:s15] =	ssyncadd.s32 $0xFFFFE0C0  }
0xa0: {  	[tilespmem:s23], [sflag:$0x4] =	stream.indirect.gather [hbm4b:s4+s17], $0x40, s20, s17, $0xb8;
	[tilespmem:$0x16940] =	vst v63  }
0xa1: {  	_ =	swait.ge [sflag:s24], $0x1F40  }
0xa2: {  	[sflag:s24] =	ssyncset.done $0x0  }
0xa3: {  	[sflag:s24] =	ssyncadd.s32 $0xFFFFE0C0  }
0xa4: {  	[spmem:s2] =	stream.indirect.scatter.add.f32 [tilespmem:s14], [sflag:$0x5], $0x40, s22, s17, $0xb8;
	[tilespmem:$0x16940] =	vst v63  }
0xa5: {  	_ =	swait.ge [sflag:s15], $0x1F40  }
0xa6: {  	[sflag:s15] =	ssyncset.done $0x0  }
0xa7: {  	[sflag:s15] =	ssyncadd.s32 $0xFFFFE0C0  }
0xa8: {  	[tilespmem:s14], [sflag:$0x1] =	stream.indirect.gather [hbm4b:s4+s17], $0x40, s20, s17, $0xb8;
	[tilespmem:$0x16940] =	vst v63  }
0xa9: {  	_ =	swait.ge [sflag:s25], $0x1F40  }
0xaa: {  	[sflag:s25] =	ssyncset.done $0x0  }
0xab: {  	[sflag:s25] =	ssyncadd.s32 $0xFFFFE0C0  }
0xac: {  	[spmem:s2] =	stream.indirect.scatter.add.f32 [tilespmem:s19], [sflag:$0x5], $0x40, s29, s17, $0xb8;
	[tilespmem:$0x16940] =	vst v63  }
0xad: {  	_ =	swait.ge [sflag:s15], $0x1F40  }
0xae: {  	[sflag:s15] =	ssyncset.done $0x0  }
0xaf: {  	[sflag:s15] =	ssyncadd.s32 $0xFFFFE0C0  }
0xb0: {  	[tilespmem:s19], [sflag:$0x2] =	stream.indirect.gather [hbm4b:s4+s17], $0x40, s20, s17, $0xb8;
	[tilespmem:$0x16940] =	vst v63  }
0xb1: {  	_ =	swait.ge [sflag:s26], $0x1F40  }
0xb2: {  	[sflag:s26] =	ssyncset.done $0x0  }
0xb3: {  	[sflag:s26] =	ssyncadd.s32 $0xFFFFE0C0  }
0xb4: {  	[spmem:s2] =	stream.indirect.scatter.add.f32 [tilespmem:s21], [sflag:$0x5], $0x40, s30, s17, $0xb8;
	[tilespmem:$0x16940] =	vst v63  }
0xb5: {  	_ =	swait.ge [sflag:s15], $0x1F40  }
0xb6: {  	[sflag:s15] =	ssyncset.done $0x0  }
0xb7: {  	[sflag:s15] =	ssyncadd.s32 $0xFFFFE0C0  }
0xb8: {  	[tilespmem:s21], [sflag:$0x3] =	stream.indirect.gather [hbm4b:s4+s17], $0x40, s20, s17, $0xb8;
	[tilespmem:$0x16940] =	vst v63  }
0xb9: {  	_ =	swait.ge [sflag:s28], $0x1F40  }
0xba: {  	[sflag:s28] =	ssyncset.done $0x0  }
0xbb: {  	[sflag:s28] =	ssyncadd.s32 $0xFFFFE0C0  }
0xbc: {  	[spmem:s2] =	stream.indirect.scatter.add.f32 [tilespmem:s23], [sflag:$0x5], $0x40, s31, s17, $0xb8;
	[tilespmem:$0x16940] =	vst v63  }
0xbd: {  	_ =	swait.ge [sflag:s15], $0x1F40  }
0xbe: {  	[sflag:s15] =	ssyncset.done $0x0  }
0xbf: {  	[sflag:s15] =	ssyncadd.s32 $0xFFFFE0C0  }
0xc0: {  	[tilespmem:s23], [sflag:$0x4] =	stream.indirect.gather [hbm4b:s4+s17], $0x40, s20, s17, $0xb8;
	[tilespmem:$0x16940] =	vst v63  }
0xc1: {  	_ =	swait.ge [sflag:s24], $0x1F40  }
0xc2: {  	[sflag:s24] =	ssyncset.done $0x0  }
0xc3: {  	[sflag:s24] =	ssyncadd.s32 $0xFFFFE0C0  }
0xc4: {  	_ =	swait.ge [sflag:s25], $0x1F40  }
0xc5: {  	[sflag:s25] =	ssyncset.done $0x0  }
0xc6: {  	[sflag:s25] =	ssyncadd.s32 $0xFFFFE0C0  }
0xc7: {  	_ =	swait.ge [sflag:s26], $0x1F40  }
0xc8: {  	[sflag:s26] =	ssyncset.done $0x0  }
0xc9: {  	[sflag:s26] =	ssyncadd.s32 $0xFFFFE0C0  }
0xca: {  	s16 =	stileid.u32;
	_ =	swait.ge [sflag:s28], $0x1F40  }
0xcb: {  	s3 =	sadd.s32 $0x1, s3;
	s0 =	sshll.u32 s16, $0x6;
	[sflag:s28] =	ssyncset.done $0x0  }
0xcc: {  	p0 =	sne.s32 s3, s13;
	s0 =	sor.u32 $0x1C05, s0;
	[sflag:s28] =	ssyncadd.s32 $0xFFFFE0C0  }
.Ltmp2:
0xcd: {  	s1 =	sshrl.u32 s5, $0x3;
	[bflag:$0x0] =	sbarrier.arrive $0xFFFF;
	(pc) =	sbr.rel @p0 .LBB2_1-.Ltmp2, $4  }
0xce: {  	[hbm:s12], [sflag:s0] =	dma.local [spmem:s1], $0x1388  }
0xcf: {  	_ =	swait.ge [sflag:s15], $0x1388  }
0xd0: {  	[sflag:s15] =	ssyncset.done $0x0  }
0xd1: {  	[sflag:s15] =	ssyncadd.s32 $0xFFFFEC78  }
0xd2: {  	_ =	sfence.sel $0x180000  }
0xd3: {  	[bflag:$0x0] =	sbarrier.arrive $0xFFFF  }
0xd4: {  	_ =	strace $0x90000047  }
0xd5: {  	s0 =	stileid.u32;
	[bflag:$0x2] =	sbarrier.arrive $0xFFFF  }
0xd6: {  	p0 =	sne.s32 s0, $0x0;
	s0 =	rddreg [dreg:$0x2]  }
0xd7: {  	s0 =	sadd.s32 @!p0 $0x100000, s0  }
0xd8: {  	[sflag:s0] =	ssyncadd.tile.s32 @!p0 $0x1;
	_ =	shalt  }
.Lfunc_end2:
_tile_overlayer_lowered:
.L_overlay_start_2:
0xd9: {  	(tag) =	ssettag $0x2  }
0xda: {  	s0 =	rddreg [dreg:$0x0];
	s2 =	stileid.u32  }
0xdb: {  	s1 =	rddreg [dreg:$0x1];
	p0 =	sne.s32 s2, $0x0  }
0xdc: {  	s3 =	rddreg [dreg:$0x2];
	[bflag:$0x3] =	sbarrier.arrive $0xFFFF;
	s2 =	simm.s32 @!p0 $0x1C05  }
0xdd: {  	[timem:s3], [sflag:s2] =	dma.local @!p0 [hbm:s0], s1  }
0xde: {  	s0 =	simm.s32 @!p0 $0x5  }
0xdf: {  	_ =	swait.ge @!p0 [sflag:s0], s1  }
0xe0: {  	s1 =	ssub.s32 @!p0 $0x0, s1;
	[sflag:s0] =	ssyncset.done @!p0 $0x0  }
0xe1: {  	[sflag:s0] =	ssyncadd.s32 @!p0 s1  }
0xe2: {  	[bflag:$0x3] =	sbarrier.arrive $0xFFFF  }
0xe3: {  	_ =	shalt  }

</sc_bundles>
